<compile_context>
chip_gen: v7x
topology: tpu7x:2x2x1
jax: 0.10.2.dev20260603
libtpu: 0.0.44.dev20260713+nightly
codegen_flags: <defaults>
</compile_context>

<pallas_src>
import functools

import jax
import jax.numpy as jnp
from jax import lax
from jax.experimental import pallas as pl
from jax.experimental.pallas import tpu as pltpu
from jax.experimental.pallas import tpu_sc as plsc

N = 10000
E = 320000
NPAD = 10240
ROWS = 640
NC = 2
NS = 16
NW = NC * NS
EPW = E // NW
C = 80
NCH = EPW // C
BN = 1000
NB = N // BN
EPS = 1e-5

_f32 = jnp.float32


def _seg_sum_sc(D, with_cnt):
    mesh = plsc.VectorSubcoreMesh(
        core_axis_name="c", subcore_axis_name="s", num_cores=NC, num_subcores=NS)

    out_type = [jax.ShapeDtypeStruct((NC, NPAD, D), _f32)]
    if with_cnt:
        out_type.append(jax.ShapeDtypeStruct((NC, NPAD), _f32))

    scratch = [
        pltpu.VMEM_SHARED((NPAD, D), _f32),
        pltpu.VMEM((EPW,), jnp.int32),
        pltpu.VMEM((NCH, C), jnp.int32),
        pltpu.VMEM((C, D), _f32),
        pltpu.SemaphoreType.DMA,
    ]
    if with_cnt:
        scratch += [
            pltpu.VMEM_SHARED((NPAD,), _f32),
            pltpu.VMEM((C,), _f32),
        ]

    def body(*refs):
        if with_cnt:
            (t_hbm, src_hbm, dst_hbm, zrow_hbm, zcnt_hbm,
             out_hbm, cnt_hbm, acc_sh, src_v, dst_v, rows_v, sem,
             cnt_sh, ones_v) = refs
        else:
            (t_hbm, src_hbm, dst_hbm, zrow_hbm,
             out_hbm, acc_sh, src_v, dst_v, rows_v, sem) = refs
        c = lax.axis_index("c")
        s = lax.axis_index("s")
        wid = s * NC + c
        lo = pl.multiple_of(s * ROWS, 8)

        pltpu.sync_copy(zrow_hbm, acc_sh.at[pl.ds(lo, ROWS)])
        ebase = pl.multiple_of(wid * EPW, 8)
        pltpu.sync_copy(src_hbm.at[pl.ds(ebase, EPW)], src_v)
        pltpu.sync_copy(dst_hbm.at[wid], dst_v)
        if with_cnt:
            pltpu.sync_copy(zcnt_hbm, cnt_sh.at[pl.ds(lo, ROWS)])
            for k in range(C // 16):
                ones_v[pl.ds(k * 16, 16)] = jnp.ones((16,), _f32)
        plsc.subcore_barrier()

        def chunk(j, carry):
            off = pl.multiple_of(j * C, 8)
            pltpu.async_copy(
                t_hbm.at[src_v.at[pl.ds(off, C)]], rows_v, sem).wait()
            pltpu.sync_copy(rows_v, acc_sh.at[dst_v.at[j]], add=True)
            if with_cnt:
                pltpu.sync_copy(ones_v, cnt_sh.at[dst_v.at[j]], add=True)
            return carry

        lax.fori_loop(0, NCH, chunk, 0)
        plsc.subcore_barrier()

        pltpu.sync_copy(acc_sh.at[pl.ds(lo, ROWS)],
                        out_hbm.at[c].at[pl.ds(lo, ROWS)])
        if with_cnt:
            pltpu.sync_copy(cnt_sh.at[pl.ds(lo, ROWS)],
                            cnt_hbm.at[c].at[pl.ds(lo, ROWS)])

    return pl.kernel(body, out_type=tuple(out_type), mesh=mesh,
                     scratch_types=scratch)


def _pre_transform(x, wt):
    Din = x.shape[1]
    Dout = wt.shape[1]

    def body(x_ref, w_ref, o_ref):
        o_ref[...] = jnp.dot(x_ref[...], w_ref[...],
                             preferred_element_type=_f32)

    return pl.pallas_call(
        body,
        grid=(NB,),
        in_specs=[
            pl.BlockSpec((BN, Din), lambda i: (i, 0)),
            pl.BlockSpec((Din, Dout), lambda i: (0, 0)),
        ],
        out_specs=pl.BlockSpec((BN, Dout), lambda i: (i, 0)),
        out_shape=jax.ShapeDtypeStruct((N, Dout), _f32),
    )(x, wt)


def _combine_mid(s_part, invc, h, wrt, b2, gs2, be2, wlt_next):
    D = h.shape[1]
    Dn = wlt_next.shape[1]

    def body(s_ref, inv_ref, h_ref, wr_ref, b_ref, g_ref, be_ref, wl_ref,
             ho_ref, to_ref):
        st = s_ref[0] + s_ref[1]
        z = (st * inv_ref[0]
             + jnp.dot(h_ref[...], wr_ref[...], preferred_element_type=_f32)
             + b_ref[...])
        hh = jnp.maximum(z * g_ref[...] + be_ref[...], 0.0)
        ho_ref[...] = hh
        to_ref[...] = jnp.dot(hh, wl_ref[...], preferred_element_type=_f32)

    return pl.pallas_call(
        body,
        grid=(NB,),
        in_specs=[
            pl.BlockSpec((NC, BN, D), lambda i: (0, i, 0)),
            pl.BlockSpec((1, BN, 1), lambda i: (i, 0, 0)),
            pl.BlockSpec((BN, D), lambda i: (i, 0)),
            pl.BlockSpec((D, D), lambda i: (0, 0)),
            pl.BlockSpec((1, D), lambda i: (0, 0)),
            pl.BlockSpec((1, D), lambda i: (0, 0)),
            pl.BlockSpec((1, D), lambda i: (0, 0)),
            pl.BlockSpec((D, Dn), lambda i: (0, 0)),
        ],
        out_specs=[
            pl.BlockSpec((BN, D), lambda i: (i, 0)),
            pl.BlockSpec((BN, Dn), lambda i: (i, 0)),
        ],
        out_shape=[
            jax.ShapeDtypeStruct((N, D), _f32),
            jax.ShapeDtypeStruct((N, Dn), _f32),
        ],
    )(s_part, invc, h, wrt, b2, gs2, be2, wlt_next)


def _combine_out(s_part, invc, h, wlt, wrt, b2):
    D = h.shape[1]
    Do = wrt.shape[1]

    def body(s_ref, inv_ref, h_ref, wl_ref, wr_ref, b_ref, o_ref):
        agg = (s_ref[0] + s_ref[1]) * inv_ref[0]
        o_ref[...] = (jnp.dot(agg, wl_ref[...], preferred_element_type=_f32)
                      + jnp.dot(h_ref[...], wr_ref[...],
                                preferred_element_type=_f32)
                      + b_ref[...])

    return pl.pallas_call(
        body,
        grid=(NB,),
        in_specs=[
            pl.BlockSpec((NC, BN, D), lambda i: (0, i, 0)),
            pl.BlockSpec((1, BN, 1), lambda i: (i, 0, 0)),
            pl.BlockSpec((BN, D), lambda i: (i, 0)),
            pl.BlockSpec((D, Do), lambda i: (0, 0)),
            pl.BlockSpec((D, Do), lambda i: (0, 0)),
            pl.BlockSpec((1, Do), lambda i: (0, 0)),
        ],
        out_specs=pl.BlockSpec((BN, Do), lambda i: (i, 0)),
        out_shape=jax.ShapeDtypeStruct((N, Do), _f32),
    )(s_part, invc, h, wlt, wrt, b2)


def kernel(x, edge_index, Wl1, Wr1, b1, g1, be1, Wl2, Wr2, b2, g2, be2,
           Wl3, Wr3, b3):
    src = edge_index[0]
    dst3 = edge_index[1].reshape(NW, NCH, C)

    zrow128 = jnp.zeros((ROWS, 128), _f32)
    zcnt = jnp.zeros((ROWS,), _f32)

    bnscale = 1.0 / jnp.sqrt(jnp.float32(1.0 + EPS))

    seg128_cnt = _seg_sum_sc(128, True)
    seg128 = _seg_sum_sc(128, False)

    t1 = _pre_transform(x, Wl1.T)
    s1, cnt = seg128_cnt(t1, src, dst3, zrow128, zcnt)
    cnt_tot = cnt[0, :N] + cnt[1, :N]
    inv = 1.0 / jnp.clip(cnt_tot, 1.0, None)
    invc = inv.reshape(NB, BN, 1)
    h1, t2 = _combine_mid(s1, invc, x, Wr1.T, b1[None, :],
                          (g1 * bnscale)[None, :], be1[None, :], Wl2.T)

    (s2,) = seg128(t2, src, dst3, zrow128)
    h2, _ = _combine_mid(s2, invc, h1, Wr2.T, b2[None, :],
                         (g2 * bnscale)[None, :], be2[None, :], Wl3.T)

    (s3,) = seg128(h2, src, dst3, zrow128)
    out = _combine_out(s3, invc, h2, Wl3.T, Wr3.T, b3[None, :])
    return out

# --- scband reference (transcript-rebuilt; emitter-appended) ---
"""Pipeline reference for scband-geo-graph-sage-56581899157895 (READ-ONLY COPY).

The authoritative reference and input builder live on the scoring server;
editing this copy changes nothing except your own understanding.
"""

import jax, jax.numpy as jnp
import numpy as np

N = 10000
E = 320000
D_IN = 128
D_H = 128
D_OUT = 16
EPS = 1e-5


def setup_inputs(seed: int = 0) -> dict:
    key = jax.random.key(seed)
    ks = jax.random.split(key, 12)

    def w(k, shape, fan_in):
        bound = 1.0 / np.sqrt(fan_in)
        return jax.random.uniform(k, shape, jnp.float32, -bound, bound)

    inp = {}
    inp['x'] = jax.random.normal(ks[0], (N, D_IN), jnp.float32)
    inp['edge_index'] = jax.random.randint(ks[1], (2, E), 0, N, dtype=jnp.int32)
    # SAGEConv layer 1: lin_l (aggregated neighbors, with bias) + lin_r (root)
    inp['Wl1'] = w(ks[2], (D_H, D_IN), D_IN)
    inp['Wr1'] = w(ks[3], (D_H, D_IN), D_IN)
    inp['b1'] = jnp.zeros((D_H,), jnp.float32)
    # BatchNorm 1 (eval mode: running_mean=0, running_var=1)
    inp['g1'] = jnp.ones((D_H,), jnp.float32)
    inp['be1'] = jnp.zeros((D_H,), jnp.float32)
    # SAGEConv layer 2
    inp['Wl2'] = w(ks[4], (D_H, D_H), D_H)
    inp['Wr2'] = w(ks[5], (D_H, D_H), D_H)
    inp['b2'] = jnp.zeros((D_H,), jnp.float32)
    # BatchNorm 2
    inp['g2'] = jnp.ones((D_H,), jnp.float32)
    inp['be2'] = jnp.zeros((D_H,), jnp.float32)
    # SAGEConv layer 3 (output)
    inp['Wl3'] = w(ks[6], (D_OUT, D_H), D_H)
    inp['Wr3'] = w(ks[7], (D_OUT, D_H), D_H)
    inp['b3'] = jnp.zeros((D_OUT,), jnp.float32)
    return inp


def _sage_conv(x, edge_index, Wl, Wr, b):
    # PyG SAGEConv with aggr='mean': out = lin_l(mean_{j in N(i)} x_j) + lin_r(x_i)
    src = edge_index[0]
    dst = edge_index[1]
    n = x.shape[0]
    msg = jnp.take(x, src, axis=0)                       # gather
    s = jax.ops.segment_sum(msg, dst, num_segments=n)    # scatter-add
    cnt = jax.ops.segment_sum(jnp.ones((edge_index.shape[1],), jnp.float32), dst, num_segments=n)
    agg = s / jnp.clip(cnt, 1.0, None)[:, None]
    return agg @ Wl.T + x @ Wr.T + b


def _bn_eval(x, g, be):
    # eval-mode BatchNorm1d with freshly initialized running stats (mean=0, var=1)
    return x / jnp.sqrt(1.0 + EPS) * g + be


def reference(x, edge_index, Wl1, Wr1, b1, g1, be1, Wl2, Wr2, b2, g2, be2, Wl3, Wr3, b3):
    h = _sage_conv(x, edge_index, Wl1, Wr1, b1)
    h = _bn_eval(h, g1, be1)
    h = jax.nn.relu(h)
    # dropout is identity in eval mode
    h = _sage_conv(h, edge_index, Wl2, Wr2, b2)
    h = _bn_eval(h, g2, be2)
    h = jax.nn.relu(h)
    out = _sage_conv(h, edge_index, Wl3, Wr3, b3)
    return out

if __name__ == "__main__":
    import jax
    _d = setup_inputs()
    print(jax.jit(kernel)(*tuple(_d.values())))

</pallas_src>

<mosaic_0001>
#map = affine_map<(d0, d1) -> (0, 0)>
#map1 = affine_map<(d0, d1) -> (0)>
#map2 = affine_map<(d0, d1) -> (0, 0, 0)>
module attributes {stable_mosaic.version = 14 : i64} {
  func.func @body(%arg0: i32, %arg1: i32, %arg2: memref<10000x128xf32, #tpu.memory_space<hbm>>, %arg3: memref<320000xi32, #tpu.memory_space<hbm>>, %arg4: memref<32x125x80xi32, #tpu.memory_space<hbm>>, %arg5: memref<640x128xf32, #tpu.memory_space<hbm>>, %arg6: memref<640xf32, #tpu.memory_space<hbm>>, %arg7: memref<2x10240x128xf32, #tpu.memory_space<hbm>>, %arg8: memref<2x10240xf32, #tpu.memory_space<hbm>>, %arg9: memref<10240x128xf32, #tpu.memory_space<vmem_shared>>, %arg10: memref<10000xi32, #tpu.memory_space<vmem>>, %arg11: memref<125x80xi32, #tpu.memory_space<vmem>>, %arg12: memref<80x128xf32, #tpu.memory_space<vmem>>, %arg13: memref<!tpu.dma_semaphore, #tpu.memory_space<semaphore_mem>>, %arg14: memref<10240xf32, #tpu.memory_space<vmem_shared>>, %arg15: memref<80xf32, #tpu.memory_space<vmem>>) attributes {dimension_semantics = [#tpu.dimension_semantics<core_parallel>, #tpu.dimension_semantics<subcore_parallel>], iteration_bounds = array<i64: 2, 16>, scalar_prefetch = 0 : i64, scratch_operands = 7 : i64, tpu.core_type = #tpu.core_type<sc_vector_subcore>, window_params = [{transform_indices = #map}, {transform_indices = #map1}, {transform_indices = #map2}, {transform_indices = #map}, {transform_indices = #map1}, {transform_indices = #map2}, {transform_indices = #map}]} {
    %mul3A = arith.constant 2 : i32
    %mul3A_0 = arith.muli %arg1, %mul3A : i32
    %add3A = arith.addi %mul3A_0, %arg0 : i32
    %mul3A_1 = arith.constant 640 : i32
    %mul3A_2 = arith.muli %arg1, %mul3A_1 : i32
    %multiple_of3A = tpu.assume_multiple %mul3A_2, 8 : i32
    "tpu.region"() ({
      %run_scoped3A = tpu.sem_alloc : memref<!tpu.dma_semaphore, #tpu.memory_space<semaphore_mem>>
      %dma_start3A = arith.constant 0 : i32
      %dma_start3A_40 = tpu.memref_slice %arg9[%multiple_of3A, %dma_start3A] : memref<10240x128xf32, #tpu.memory_space<vmem_shared>> -> memref<640x128xf32, #tpu.memory_space<vmem_shared>>
      tpu.enqueue_dma source(%arg5 : memref<640x128xf32, #tpu.memory_space<hbm>>) target(%dma_start3A_40 : memref<640x128xf32, #tpu.memory_space<vmem_shared>>) target_semaphore(%run_scoped3A : memref<!tpu.dma_semaphore, #tpu.memory_space<semaphore_mem>>)
      %dma_wait3A = arith.constant 0 : i32
      %dma_wait3A_41 = tpu.memref_slice %arg9[%multiple_of3A, %dma_wait3A] : memref<10240x128xf32, #tpu.memory_space<vmem_shared>> -> memref<640x128xf32, #tpu.memory_space<vmem_shared>>
      tpu.wait_dma2 semaphore(%run_scoped3A : memref<!tpu.dma_semaphore, #tpu.memory_space<semaphore_mem>>) src(%arg5 : memref<640x128xf32, #tpu.memory_space<hbm>>) dst(%dma_wait3A_41 : memref<640x128xf32, #tpu.memory_space<vmem_shared>>)
      tpu.yield
    }) : () -> ()
    %mul3A_3 = arith.constant 10000 : i32
    %mul3A_4 = arith.muli %add3A, %mul3A_3 : i32
    %multiple_of3A_5 = tpu.assume_multiple %mul3A_4, 8 : i32
    "tpu.region"() ({
      %run_scoped3A = tpu.sem_alloc : memref<!tpu.dma_semaphore, #tpu.memory_space<semaphore_mem>>
      %dma_start3A = tpu.memref_slice %arg3[%multiple_of3A_5] : memref<320000xi32, #tpu.memory_space<hbm>> -> memref<10000xi32, #tpu.memory_space<hbm>>
      %dma_start3A_40 = tpu.memref_slice %arg3[%multiple_of3A_5] : memref<320000xi32, #tpu.memory_space<hbm>> -> memref<10000xi32, #tpu.memory_space<hbm>>
      tpu.enqueue_dma source(%dma_start3A_40 : memref<10000xi32, #tpu.memory_space<hbm>>) target(%arg10 : memref<10000xi32, #tpu.memory_space<vmem>>) target_semaphore(%run_scoped3A : memref<!tpu.dma_semaphore, #tpu.memory_space<semaphore_mem>>)
      %dma_wait3A = tpu.memref_slice %arg3[%multiple_of3A_5] : memref<320000xi32, #tpu.memory_space<hbm>> -> memref<10000xi32, #tpu.memory_space<hbm>>
      %dma_wait3A_41 = tpu.memref_slice %arg3[%multiple_of3A_5] : memref<320000xi32, #tpu.memory_space<hbm>> -> memref<10000xi32, #tpu.memory_space<hbm>>
      tpu.wait_dma2 semaphore(%run_scoped3A : memref<!tpu.dma_semaphore, #tpu.memory_space<semaphore_mem>>) src(%dma_wait3A_41 : memref<10000xi32, #tpu.memory_space<hbm>>) dst(%arg10 : memref<10000xi32, #tpu.memory_space<vmem>>)
      tpu.yield
    }) : () -> ()
    "tpu.region"() ({
      %run_scoped3A = tpu.sem_alloc : memref<!tpu.dma_semaphore, #tpu.memory_space<semaphore_mem>>
      %dma_start3A = arith.constant 0 : i32
      %dma_start3A_40 = arith.constant 0 : i32
      %dma_start3A_41 = tpu.memref_slice %arg4[%add3A, %dma_start3A, %dma_start3A_40] : memref<32x125x80xi32, #tpu.memory_space<hbm>> -> memref<1x125x80xi32, #tpu.memory_space<hbm>>
      %dma_start3A_42 = tpu.memref_squeeze %dma_start3A_41 : memref<1x125x80xi32, #tpu.memory_space<hbm>> -> memref<125x80xi32, #tpu.memory_space<hbm>>
      %dma_start3A_43 = arith.constant 0 : i32
      %dma_start3A_44 = arith.constant 0 : i32
      %dma_start3A_45 = tpu.memref_slice %arg4[%add3A, %dma_start3A_43, %dma_start3A_44] : memref<32x125x80xi32, #tpu.memory_space<hbm>> -> memref<1x125x80xi32, #tpu.memory_space<hbm>>
      %dma_start3A_46 = tpu.memref_squeeze %dma_start3A_45 : memref<1x125x80xi32, #tpu.memory_space<hbm>> -> memref<125x80xi32, #tpu.memory_space<hbm>>
      tpu.enqueue_dma source(%dma_start3A_46 : memref<125x80xi32, #tpu.memory_space<hbm>>) target(%arg11 : memref<125x80xi32, #tpu.memory_space<vmem>>) target_semaphore(%run_scoped3A : memref<!tpu.dma_semaphore, #tpu.memory_space<semaphore_mem>>)
      %dma_wait3A = arith.constant 0 : i32
      %dma_wait3A_47 = arith.constant 0 : i32
      %dma_wait3A_48 = tpu.memref_slice %arg4[%add3A, %dma_wait3A, %dma_wait3A_47] : memref<32x125x80xi32, #tpu.memory_space<hbm>> -> memref<1x125x80xi32, #tpu.memory_space<hbm>>
      %dma_wait3A_49 = tpu.memref_squeeze %dma_wait3A_48 : memref<1x125x80xi32, #tpu.memory_space<hbm>> -> memref<125x80xi32, #tpu.memory_space<hbm>>
      %dma_wait3A_50 = arith.constant 0 : i32
      %dma_wait3A_51 = arith.constant 0 : i32
      %dma_wait3A_52 = tpu.memref_slice %arg4[%add3A, %dma_wait3A_50, %dma_wait3A_51] : memref<32x125x80xi32, #tpu.memory_space<hbm>> -> memref<1x125x80xi32, #tpu.memory_space<hbm>>
      %dma_wait3A_53 = tpu.memref_squeeze %dma_wait3A_52 : memref<1x125x80xi32, #tpu.memory_space<hbm>> -> memref<125x80xi32, #tpu.memory_space<hbm>>
      tpu.wait_dma2 semaphore(%run_scoped3A : memref<!tpu.dma_semaphore, #tpu.memory_space<semaphore_mem>>) src(%dma_wait3A_53 : memref<125x80xi32, #tpu.memory_space<hbm>>) dst(%arg11 : memref<125x80xi32, #tpu.memory_space<vmem>>)
      tpu.yield
    }) : () -> ()
    "tpu.region"() ({
      %run_scoped3A = tpu.sem_alloc : memref<!tpu.dma_semaphore, #tpu.memory_space<semaphore_mem>>
      %dma_start3A = tpu.memref_slice %arg14[%multiple_of3A] : memref<10240xf32, #tpu.memory_space<vmem_shared>> -> memref<640xf32, #tpu.memory_space<vmem_shared>>
      tpu.enqueue_dma source(%arg6 : memref<640xf32, #tpu.memory_space<hbm>>) target(%dma_start3A : memref<640xf32, #tpu.memory_space<vmem_shared>>) target_semaphore(%run_scoped3A : memref<!tpu.dma_semaphore, #tpu.memory_space<semaphore_mem>>)
      %dma_wait3A = tpu.memref_slice %arg14[%multiple_of3A] : memref<10240xf32, #tpu.memory_space<vmem_shared>> -> memref<640xf32, #tpu.memory_space<vmem_shared>>
      tpu.wait_dma2 semaphore(%run_scoped3A : memref<!tpu.dma_semaphore, #tpu.memory_space<semaphore_mem>>) src(%arg6 : memref<640xf32, #tpu.memory_space<hbm>>) dst(%dma_wait3A : memref<640xf32, #tpu.memory_space<vmem_shared>>)
      tpu.yield
    }) : () -> ()
    %broadcast_in_dim3A = arith.constant 1.000000e+00 : f32
    %broadcast_in_dim3A_6 = vector.broadcast %broadcast_in_dim3A : f32 to vector<16xf32>
    %swap3A = arith.constant 0 : index
    %swap3A_7 = tpu.vector_load %arg15[%swap3A] {strides = array<i32>} : memref<80xf32, #tpu.memory_space<vmem>>, vector<16xf32>,
    %swap3A_8 = vector.shape_cast %swap3A_7 : vector<16xf32> to vector<16xf32>
    %swap3A_9 = vector.shape_cast %broadcast_in_dim3A_6 : vector<16xf32> to vector<16xf32>
    tpu.vector_store %arg15[%swap3A], %swap3A_9 {strides = array<i32>} : memref<80xf32, #tpu.memory_space<vmem>>, vector<16xf32>,
    %broadcast_in_dim3A_10 = arith.constant 1.000000e+00 : f32
    %broadcast_in_dim3A_11 = vector.broadcast %broadcast_in_dim3A_10 : f32 to vector<16xf32>
    %swap3A_12 = arith.constant 16 : index
    %swap3A_13 = tpu.vector_load %arg15[%swap3A_12] {strides = array<i32>} : memref<80xf32, #tpu.memory_space<vmem>>, vector<16xf32>,
    %swap3A_14 = vector.shape_cast %swap3A_13 : vector<16xf32> to vector<16xf32>
    %swap3A_15 = vector.shape_cast %broadcast_in_dim3A_11 : vector<16xf32> to vector<16xf32>
    tpu.vector_store %arg15[%swap3A_12], %swap3A_15 {strides = array<i32>} : memref<80xf32, #tpu.memory_space<vmem>>, vector<16xf32>,
    %broadcast_in_dim3A_16 = arith.constant 1.000000e+00 : f32
    %broadcast_in_dim3A_17 = vector.broadcast %broadcast_in_dim3A_16 : f32 to vector<16xf32>
    %swap3A_18 = arith.constant 32 : index
    %swap3A_19 = tpu.vector_load %arg15[%swap3A_18] {strides = array<i32>} : memref<80xf32, #tpu.memory_space<vmem>>, vector<16xf32>,
    %swap3A_20 = vector.shape_cast %swap3A_19 : vector<16xf32> to vector<16xf32>
    %swap3A_21 = vector.shape_cast %broadcast_in_dim3A_17 : vector<16xf32> to vector<16xf32>
    tpu.vector_store %arg15[%swap3A_18], %swap3A_21 {strides = array<i32>} : memref<80xf32, #tpu.memory_space<vmem>>, vector<16xf32>,
    %broadcast_in_dim3A_22 = arith.constant 1.000000e+00 : f32
    %broadcast_in_dim3A_23 = vector.broadcast %broadcast_in_dim3A_22 : f32 to vector<16xf32>
    %swap3A_24 = arith.constant 48 : index
    %swap3A_25 = tpu.vector_load %arg15[%swap3A_24] {strides = array<i32>} : memref<80xf32, #tpu.memory_space<vmem>>, vector<16xf32>,
    %swap3A_26 = vector.shape_cast %swap3A_25 : vector<16xf32> to vector<16xf32>
    %swap3A_27 = vector.shape_cast %broadcast_in_dim3A_23 : vector<16xf32> to vector<16xf32>
    tpu.vector_store %arg15[%swap3A_24], %swap3A_27 {strides = array<i32>} : memref<80xf32, #tpu.memory_space<vmem>>, vector<16xf32>,
    %broadcast_in_dim3A_28 = arith.constant 1.000000e+00 : f32
    %broadcast_in_dim3A_29 = vector.broadcast %broadcast_in_dim3A_28 : f32 to vector<16xf32>
    %swap3A_30 = arith.constant 64 : index
    %swap3A_31 = tpu.vector_load %arg15[%swap3A_30] {strides = array<i32>} : memref<80xf32, #tpu.memory_space<vmem>>, vector<16xf32>,
    %swap3A_32 = vector.shape_cast %swap3A_31 : vector<16xf32> to vector<16xf32>
    %swap3A_33 = vector.shape_cast %broadcast_in_dim3A_29 : vector<16xf32> to vector<16xf32>
    tpu.vector_store %arg15[%swap3A_30], %swap3A_33 {strides = array<i32>} : memref<80xf32, #tpu.memory_space<vmem>>, vector<16xf32>,
    %barrier3A = arith.constant 0 : index
    tpu.barrier barrier_id(%barrier3A)
    %scan3A = arith.constant 0 : i32
    %scan3A_34 = arith.constant 0 : i32
    %scan3A_35 = arith.constant 125 : i32
    %scan3A_36 = arith.addi %scan3A_34, %scan3A_35 : i32
    %scan3A_37 = arith.constant 1 : i32
    scf.for %scan3A_40 = %scan3A_34 to %scan3A_36 step %scan3A_37  : i32 {
      %mul3A_41 = arith.constant 80 : i32
      %mul3A_42 = arith.muli %scan3A_40, %mul3A_41 : i32
      %multiple_of3A_43 = tpu.assume_multiple %mul3A_42, 8 : i32
      %dma_start3A = tpu.memref_slice %arg10[%multiple_of3A_43] : memref<10000xi32, #tpu.memory_space<vmem>> -> memref<80xi32, #tpu.memory_space<vmem>>
      %dma_start3A_44 = arith.constant 0 : i32
      %dma_start3A_45 = arith.constant 0 : i32
      %dma_start3A_46 = tpu.memref_slice %arg2[%dma_start3A_44, %dma_start3A_45] : memref<10000x128xf32, #tpu.memory_space<hbm>> -> memref<10000x128xf32, #tpu.memory_space<hbm>>
      tpu.enqueue_indirect_dma source(%dma_start3A_46 : memref<10000x128xf32, #tpu.memory_space<hbm>>) target(%arg12 : memref<80x128xf32, #tpu.memory_space<vmem>>) offsets(%dma_start3A : memref<80xi32, #tpu.memory_space<vmem>>) semaphore(%arg13 : memref<!tpu.dma_semaphore, #tpu.memory_space<semaphore_mem>>)
      %dma_wait3A = tpu.memref_slice %arg10[%multiple_of3A_43] : memref<10000xi32, #tpu.memory_space<vmem>> -> memref<80xi32, #tpu.memory_space<vmem>>
      %dma_wait3A_47 = arith.constant 0 : i32
      %dma_wait3A_48 = arith.constant 0 : i32
      %dma_wait3A_49 = tpu.memref_slice %arg2[%dma_wait3A_47, %dma_wait3A_48] : memref<10000x128xf32, #tpu.memory_space<hbm>> -> memref<10000x128xf32, #tpu.memory_space<hbm>>
      tpu.wait_indirect_dma semaphore(%arg13 : memref<!tpu.dma_semaphore, #tpu.memory_space<semaphore_mem>>) src(%dma_wait3A_49 : memref<10000x128xf32, #tpu.memory_space<hbm>>) dst(%arg12 : memref<80x128xf32, #tpu.memory_space<vmem>>)
      "tpu.region"() ({
        %run_scoped3A = tpu.sem_alloc : memref<!tpu.dma_semaphore, #tpu.memory_space<semaphore_mem>>
        %dma_start3A_50 = arith.constant 0 : i32
        %dma_start3A_51 = tpu.memref_slice %arg11[%scan3A_40, %dma_start3A_50] : memref<125x80xi32, #tpu.memory_space<vmem>> -> memref<1x80xi32, #tpu.memory_space<vmem>>
        %dma_start3A_52 = tpu.memref_squeeze %dma_start3A_51 : memref<1x80xi32, #tpu.memory_space<vmem>> -> memref<80xi32, #tpu.memory_space<vmem>>
        %dma_start3A_53 = arith.constant 0 : i32
        %dma_start3A_54 = arith.constant 0 : i32
        %dma_start3A_55 = tpu.memref_slice %arg9[%dma_start3A_53, %dma_start3A_54] : memref<10240x128xf32, #tpu.memory_space<vmem_shared>> -> memref<10240x128xf32, #tpu.memory_space<vmem_shared>>
        tpu.enqueue_indirect_dma source(%arg12 : memref<80x128xf32, #tpu.memory_space<vmem>>) target(%dma_start3A_55 : memref<10240x128xf32, #tpu.memory_space<vmem_shared>>) offsets(%dma_start3A_52 : memref<80xi32, #tpu.memory_space<vmem>>) semaphore(%run_scoped3A : memref<!tpu.dma_semaphore, #tpu.memory_space<semaphore_mem>>) {add = true}
        %dma_wait3A_56 = arith.constant 0 : i32
        %dma_wait3A_57 = tpu.memref_slice %arg11[%scan3A_40, %dma_wait3A_56] : memref<125x80xi32, #tpu.memory_space<vmem>> -> memref<1x80xi32, #tpu.memory_space<vmem>>
        %dma_wait3A_58 = tpu.memref_squeeze %dma_wait3A_57 : memref<1x80xi32, #tpu.memory_space<vmem>> -> memref<80xi32, #tpu.memory_space<vmem>>
        %dma_wait3A_59 = arith.constant 0 : i32
        %dma_wait3A_60 = arith.constant 0 : i32
        %dma_wait3A_61 = tpu.memref_slice %arg9[%dma_wait3A_59, %dma_wait3A_60] : memref<10240x128xf32, #tpu.memory_space<vmem_shared>> -> memref<10240x128xf32, #tpu.memory_space<vmem_shared>>
        tpu.wait_indirect_dma semaphore(%run_scoped3A : memref<!tpu.dma_semaphore, #tpu.memory_space<semaphore_mem>>) src(%arg12 : memref<80x128xf32, #tpu.memory_space<vmem>>) dst(%dma_wait3A_61 : memref<10240x128xf32, #tpu.memory_space<vmem_shared>>)
        tpu.yield
      }) : () -> ()
      "tpu.region"() ({
        %run_scoped3A = tpu.sem_alloc : memref<!tpu.dma_semaphore, #tpu.memory_space<semaphore_mem>>
        %dma_start3A_50 = arith.constant 0 : i32
        %dma_start3A_51 = tpu.memref_slice %arg11[%scan3A_40, %dma_start3A_50] : memref<125x80xi32, #tpu.memory_space<vmem>> -> memref<1x80xi32, #tpu.memory_space<vmem>>
        %dma_start3A_52 = tpu.memref_squeeze %dma_start3A_51 : memref<1x80xi32, #tpu.memory_space<vmem>> -> memref<80xi32, #tpu.memory_space<vmem>>
        %dma_start3A_53 = arith.constant 0 : i32
        %dma_start3A_54 = tpu.memref_slice %arg14[%dma_start3A_53] : memref<10240xf32, #tpu.memory_space<vmem_shared>> -> memref<10240xf32, #tpu.memory_space<vmem_shared>>
        tpu.enqueue_indirect_dma source(%arg15 : memref<80xf32, #tpu.memory_space<vmem>>) target(%dma_start3A_54 : memref<10240xf32, #tpu.memory_space<vmem_shared>>) offsets(%dma_start3A_52 : memref<80xi32, #tpu.memory_space<vmem>>) semaphore(%run_scoped3A : memref<!tpu.dma_semaphore, #tpu.memory_space<semaphore_mem>>) {add = true}
        %dma_wait3A_55 = arith.constant 0 : i32
        %dma_wait3A_56 = tpu.memref_slice %arg11[%scan3A_40, %dma_wait3A_55] : memref<125x80xi32, #tpu.memory_space<vmem>> -> memref<1x80xi32, #tpu.memory_space<vmem>>
        %dma_wait3A_57 = tpu.memref_squeeze %dma_wait3A_56 : memref<1x80xi32, #tpu.memory_space<vmem>> -> memref<80xi32, #tpu.memory_space<vmem>>
        %dma_wait3A_58 = arith.constant 0 : i32
        %dma_wait3A_59 = tpu.memref_slice %arg14[%dma_wait3A_58] : memref<10240xf32, #tpu.memory_space<vmem_shared>> -> memref<10240xf32, #tpu.memory_space<vmem_shared>>
        tpu.wait_indirect_dma semaphore(%run_scoped3A : memref<!tpu.dma_semaphore, #tpu.memory_space<semaphore_mem>>) src(%arg15 : memref<80xf32, #tpu.memory_space<vmem>>) dst(%dma_wait3A_59 : memref<10240xf32, #tpu.memory_space<vmem_shared>>)
        tpu.yield
      }) : () -> ()
    }
    %scan3A_38 = arith.constant 125 : i32
    %barrier3A_39 = arith.constant 0 : index
    tpu.barrier barrier_id(%barrier3A_39)
    "tpu.region"() ({
      %run_scoped3A = tpu.sem_alloc : memref<!tpu.dma_semaphore, #tpu.memory_space<semaphore_mem>>
      %dma_start3A = arith.constant 0 : i32
      %dma_start3A_40 = arith.constant 0 : i32
      %dma_start3A_41 = tpu.memref_slice %arg7[%arg0, %dma_start3A, %dma_start3A_40] : memref<2x10240x128xf32, #tpu.memory_space<hbm>> -> memref<1x10240x128xf32, #tpu.memory_space<hbm>>
      %dma_start3A_42 = tpu.memref_squeeze %dma_start3A_41 : memref<1x10240x128xf32, #tpu.memory_space<hbm>> -> memref<10240x128xf32, #tpu.memory_space<hbm>>
      %dma_start3A_43 = arith.constant 0 : i32
      %dma_start3A_44 = tpu.memref_slice %dma_start3A_42[%multiple_of3A, %dma_start3A_43] : memref<10240x128xf32, #tpu.memory_space<hbm>> -> memref<640x128xf32, #tpu.memory_space<hbm>>
      %dma_start3A_45 = arith.constant 0 : i32
      %dma_start3A_46 = tpu.memref_slice %arg9[%multiple_of3A, %dma_start3A_45] : memref<10240x128xf32, #tpu.memory_space<vmem_shared>> -> memref<640x128xf32, #tpu.memory_space<vmem_shared>>
      tpu.enqueue_dma source(%dma_start3A_46 : memref<640x128xf32, #tpu.memory_space<vmem_shared>>) target(%dma_start3A_44 : memref<640x128xf32, #tpu.memory_space<hbm>>) target_semaphore(%run_scoped3A : memref<!tpu.dma_semaphore, #tpu.memory_space<semaphore_mem>>)
      %dma_wait3A = arith.constant 0 : i32
      %dma_wait3A_47 = arith.constant 0 : i32
      %dma_wait3A_48 = tpu.memref_slice %arg7[%arg0, %dma_wait3A, %dma_wait3A_47] : memref<2x10240x128xf32, #tpu.memory_space<hbm>> -> memref<1x10240x128xf32, #tpu.memory_space<hbm>>
      %dma_wait3A_49 = tpu.memref_squeeze %dma_wait3A_48 : memref<1x10240x128xf32, #tpu.memory_space<hbm>> -> memref<10240x128xf32, #tpu.memory_space<hbm>>
      %dma_wait3A_50 = arith.constant 0 : i32
      %dma_wait3A_51 = tpu.memref_slice %dma_wait3A_49[%multiple_of3A, %dma_wait3A_50] : memref<10240x128xf32, #tpu.memory_space<hbm>> -> memref<640x128xf32, #tpu.memory_space<hbm>>
      %dma_wait3A_52 = arith.constant 0 : i32
      %dma_wait3A_53 = tpu.memref_slice %arg9[%multiple_of3A, %dma_wait3A_52] : memref<10240x128xf32, #tpu.memory_space<vmem_shared>> -> memref<640x128xf32, #tpu.memory_space<vmem_shared>>
      tpu.wait_dma2 semaphore(%run_scoped3A : memref<!tpu.dma_semaphore, #tpu.memory_space<semaphore_mem>>) src(%dma_wait3A_53 : memref<640x128xf32, #tpu.memory_space<vmem_shared>>) dst(%dma_wait3A_51 : memref<640x128xf32, #tpu.memory_space<hbm>>)
      tpu.yield
    }) : () -> ()
    "tpu.region"() ({
      %run_scoped3A = tpu.sem_alloc : memref<!tpu.dma_semaphore, #tpu.memory_space<semaphore_mem>>
      %dma_start3A = arith.constant 0 : i32
      %dma_start3A_40 = tpu.memref_slice %arg8[%arg0, %dma_start3A] : memref<2x10240xf32, #tpu.memory_space<hbm>> -> memref<1x10240xf32, #tpu.memory_space<hbm>>
      %dma_start3A_41 = tpu.memref_squeeze %dma_start3A_40 : memref<1x10240xf32, #tpu.memory_space<hbm>> -> memref<10240xf32, #tpu.memory_space<hbm>>
      %dma_start3A_42 = tpu.memref_slice %dma_start3A_41[%multiple_of3A] : memref<10240xf32, #tpu.memory_space<hbm>> -> memref<640xf32, #tpu.memory_space<hbm>>
      %dma_start3A_43 = tpu.memref_slice %arg14[%multiple_of3A] : memref<10240xf32, #tpu.memory_space<vmem_shared>> -> memref<640xf32, #tpu.memory_space<vmem_shared>>
      tpu.enqueue_dma source(%dma_start3A_43 : memref<640xf32, #tpu.memory_space<vmem_shared>>) target(%dma_start3A_42 : memref<640xf32, #tpu.memory_space<hbm>>) target_semaphore(%run_scoped3A : memref<!tpu.dma_semaphore, #tpu.memory_space<semaphore_mem>>)
      %dma_wait3A = arith.constant 0 : i32
      %dma_wait3A_44 = tpu.memref_slice %arg8[%arg0, %dma_wait3A] : memref<2x10240xf32, #tpu.memory_space<hbm>> -> memref<1x10240xf32, #tpu.memory_space<hbm>>
      %dma_wait3A_45 = tpu.memref_squeeze %dma_wait3A_44 : memref<1x10240xf32, #tpu.memory_space<hbm>> -> memref<10240xf32, #tpu.memory_space<hbm>>
      %dma_wait3A_46 = tpu.memref_slice %dma_wait3A_45[%multiple_of3A] : memref<10240xf32, #tpu.memory_space<hbm>> -> memref<640xf32, #tpu.memory_space<hbm>>
      %dma_wait3A_47 = tpu.memref_slice %arg14[%multiple_of3A] : memref<10240xf32, #tpu.memory_space<vmem_shared>> -> memref<640xf32, #tpu.memory_space<vmem_shared>>
      tpu.wait_dma2 semaphore(%run_scoped3A : memref<!tpu.dma_semaphore, #tpu.memory_space<semaphore_mem>>) src(%dma_wait3A_47 : memref<640xf32, #tpu.memory_space<vmem_shared>>) dst(%dma_wait3A_46 : memref<640xf32, #tpu.memory_space<hbm>>)
      tpu.yield
    }) : () -> ()
    return
  }
}

#map = affine_map<(d0, d1) -> (0, 0)>
#map1 = affine_map<(d0, d1) -> (0)>
#map2 = affine_map<(d0, d1) -> (0, 0, 0)>
module attributes {stable_mosaic.version = 14 : i64} {
  func.func @body(%arg0: i32, %arg1: i32, %arg2: memref<10000x128xf32, #tpu.memory_space<hbm>>, %arg3: memref<320000xi32, #tpu.memory_space<hbm>>, %arg4: memref<32x125x80xi32, #tpu.memory_space<hbm>>, %arg5: memref<640x128xf32, #tpu.memory_space<hbm>>, %arg6: memref<2x10240x128xf32, #tpu.memory_space<hbm>>, %arg7: memref<10240x128xf32, #tpu.memory_space<vmem_shared>>, %arg8: memref<10000xi32, #tpu.memory_space<vmem>>, %arg9: memref<125x80xi32, #tpu.memory_space<vmem>>, %arg10: memref<80x128xf32, #tpu.memory_space<vmem>>, %arg11: memref<!tpu.dma_semaphore, #tpu.memory_space<semaphore_mem>>) attributes {dimension_semantics = [#tpu.dimension_semantics<core_parallel>, #tpu.dimension_semantics<subcore_parallel>], iteration_bounds = array<i64: 2, 16>, scalar_prefetch = 0 : i64, scratch_operands = 5 : i64, tpu.core_type = #tpu.core_type<sc_vector_subcore>, window_params = [{transform_indices = #map}, {transform_indices = #map1}, {transform_indices = #map2}, {transform_indices = #map}, {transform_indices = #map2}]} {
    %mul3A = arith.constant 2 : i32
    %mul3A_0 = arith.muli %arg1, %mul3A : i32
    %add3A = arith.addi %mul3A_0, %arg0 : i32
    %mul3A_1 = arith.constant 640 : i32
    %mul3A_2 = arith.muli %arg1, %mul3A_1 : i32
    %multiple_of3A = tpu.assume_multiple %mul3A_2, 8 : i32
    "tpu.region"() ({
      %run_scoped3A = tpu.sem_alloc : memref<!tpu.dma_semaphore, #tpu.memory_space<semaphore_mem>>
      %dma_start3A = arith.constant 0 : i32
      %dma_start3A_12 = tpu.memref_slice %arg7[%multiple_of3A, %dma_start3A] : memref<10240x128xf32, #tpu.memory_space<vmem_shared>> -> memref<640x128xf32, #tpu.memory_space<vmem_shared>>
      tpu.enqueue_dma source(%arg5 : memref<640x128xf32, #tpu.memory_space<hbm>>) target(%dma_start3A_12 : memref<640x128xf32, #tpu.memory_space<vmem_shared>>) target_semaphore(%run_scoped3A : memref<!tpu.dma_semaphore, #tpu.memory_space<semaphore_mem>>)
      %dma_wait3A = arith.constant 0 : i32
      %dma_wait3A_13 = tpu.memref_slice %arg7[%multiple_of3A, %dma_wait3A] : memref<10240x128xf32, #tpu.memory_space<vmem_shared>> -> memref<640x128xf32, #tpu.memory_space<vmem_shared>>
      tpu.wait_dma2 semaphore(%run_scoped3A : memref<!tpu.dma_semaphore, #tpu.memory_space<semaphore_mem>>) src(%arg5 : memref<640x128xf32, #tpu.memory_space<hbm>>) dst(%dma_wait3A_13 : memref<640x128xf32, #tpu.memory_space<vmem_shared>>)
      tpu.yield
    }) : () -> ()
    %mul3A_3 = arith.constant 10000 : i32
    %mul3A_4 = arith.muli %add3A, %mul3A_3 : i32
    %multiple_of3A_5 = tpu.assume_multiple %mul3A_4, 8 : i32
    "tpu.region"() ({
      %run_scoped3A = tpu.sem_alloc : memref<!tpu.dma_semaphore, #tpu.memory_space<semaphore_mem>>
      %dma_start3A = tpu.memref_slice %arg3[%multiple_of3A_5] : memref<320000xi32, #tpu.memory_space<hbm>> -> memref<10000xi32, #tpu.memory_space<hbm>>
      %dma_start3A_12 = tpu.memref_slice %arg3[%multiple_of3A_5] : memref<320000xi32, #tpu.memory_space<hbm>> -> memref<10000xi32, #tpu.memory_space<hbm>>
      tpu.enqueue_dma source(%dma_start3A_12 : memref<10000xi32, #tpu.memory_space<hbm>>) target(%arg8 : memref<10000xi32, #tpu.memory_space<vmem>>) target_semaphore(%run_scoped3A : memref<!tpu.dma_semaphore, #tpu.memory_space<semaphore_mem>>)
      %dma_wait3A = tpu.memref_slice %arg3[%multiple_of3A_5] : memref<320000xi32, #tpu.memory_space<hbm>> -> memref<10000xi32, #tpu.memory_space<hbm>>
      %dma_wait3A_13 = tpu.memref_slice %arg3[%multiple_of3A_5] : memref<320000xi32, #tpu.memory_space<hbm>> -> memref<10000xi32, #tpu.memory_space<hbm>>
      tpu.wait_dma2 semaphore(%run_scoped3A : memref<!tpu.dma_semaphore, #tpu.memory_space<semaphore_mem>>) src(%dma_wait3A_13 : memref<10000xi32, #tpu.memory_space<hbm>>) dst(%arg8 : memref<10000xi32, #tpu.memory_space<vmem>>)
      tpu.yield
    }) : () -> ()
    "tpu.region"() ({
      %run_scoped3A = tpu.sem_alloc : memref<!tpu.dma_semaphore, #tpu.memory_space<semaphore_mem>>
      %dma_start3A = arith.constant 0 : i32
      %dma_start3A_12 = arith.constant 0 : i32
      %dma_start3A_13 = tpu.memref_slice %arg4[%add3A, %dma_start3A, %dma_start3A_12] : memref<32x125x80xi32, #tpu.memory_space<hbm>> -> memref<1x125x80xi32, #tpu.memory_space<hbm>>
      %dma_start3A_14 = tpu.memref_squeeze %dma_start3A_13 : memref<1x125x80xi32, #tpu.memory_space<hbm>> -> memref<125x80xi32, #tpu.memory_space<hbm>>
      %dma_start3A_15 = arith.constant 0 : i32
      %dma_start3A_16 = arith.constant 0 : i32
      %dma_start3A_17 = tpu.memref_slice %arg4[%add3A, %dma_start3A_15, %dma_start3A_16] : memref<32x125x80xi32, #tpu.memory_space<hbm>> -> memref<1x125x80xi32, #tpu.memory_space<hbm>>
      %dma_start3A_18 = tpu.memref_squeeze %dma_start3A_17 : memref<1x125x80xi32, #tpu.memory_space<hbm>> -> memref<125x80xi32, #tpu.memory_space<hbm>>
      tpu.enqueue_dma source(%dma_start3A_18 : memref<125x80xi32, #tpu.memory_space<hbm>>) target(%arg9 : memref<125x80xi32, #tpu.memory_space<vmem>>) target_semaphore(%run_scoped3A : memref<!tpu.dma_semaphore, #tpu.memory_space<semaphore_mem>>)
      %dma_wait3A = arith.constant 0 : i32
      %dma_wait3A_19 = arith.constant 0 : i32
      %dma_wait3A_20 = tpu.memref_slice %arg4[%add3A, %dma_wait3A, %dma_wait3A_19] : memref<32x125x80xi32, #tpu.memory_space<hbm>> -> memref<1x125x80xi32, #tpu.memory_space<hbm>>
      %dma_wait3A_21 = tpu.memref_squeeze %dma_wait3A_20 : memref<1x125x80xi32, #tpu.memory_space<hbm>> -> memref<125x80xi32, #tpu.memory_space<hbm>>
      %dma_wait3A_22 = arith.constant 0 : i32
      %dma_wait3A_23 = arith.constant 0 : i32
      %dma_wait3A_24 = tpu.memref_slice %arg4[%add3A, %dma_wait3A_22, %dma_wait3A_23] : memref<32x125x80xi32, #tpu.memory_space<hbm>> -> memref<1x125x80xi32, #tpu.memory_space<hbm>>
      %dma_wait3A_25 = tpu.memref_squeeze %dma_wait3A_24 : memref<1x125x80xi32, #tpu.memory_space<hbm>> -> memref<125x80xi32, #tpu.memory_space<hbm>>
      tpu.wait_dma2 semaphore(%run_scoped3A : memref<!tpu.dma_semaphore, #tpu.memory_space<semaphore_mem>>) src(%dma_wait3A_25 : memref<125x80xi32, #tpu.memory_space<hbm>>) dst(%arg9 : memref<125x80xi32, #tpu.memory_space<vmem>>)
      tpu.yield
    }) : () -> ()
    %barrier3A = arith.constant 0 : index
    tpu.barrier barrier_id(%barrier3A)
    %scan3A = arith.constant 0 : i32
    %scan3A_6 = arith.constant 0 : i32
    %scan3A_7 = arith.constant 125 : i32
    %scan3A_8 = arith.addi %scan3A_6, %scan3A_7 : i32
    %scan3A_9 = arith.constant 1 : i32
    scf.for %scan3A_12 = %scan3A_6 to %scan3A_8 step %scan3A_9  : i32 {
      %mul3A_13 = arith.constant 80 : i32
      %mul3A_14 = arith.muli %scan3A_12, %mul3A_13 : i32
      %multiple_of3A_15 = tpu.assume_multiple %mul3A_14, 8 : i32
      %dma_start3A = tpu.memref_slice %arg8[%multiple_of3A_15] : memref<10000xi32, #tpu.memory_space<vmem>> -> memref<80xi32, #tpu.memory_space<vmem>>
      %dma_start3A_16 = arith.constant 0 : i32
      %dma_start3A_17 = arith.constant 0 : i32
      %dma_start3A_18 = tpu.memref_slice %arg2[%dma_start3A_16, %dma_start3A_17] : memref<10000x128xf32, #tpu.memory_space<hbm>> -> memref<10000x128xf32, #tpu.memory_space<hbm>>
      tpu.enqueue_indirect_dma source(%dma_start3A_18 : memref<10000x128xf32, #tpu.memory_space<hbm>>) target(%arg10 : memref<80x128xf32, #tpu.memory_space<vmem>>) offsets(%dma_start3A : memref<80xi32, #tpu.memory_space<vmem>>) semaphore(%arg11 : memref<!tpu.dma_semaphore, #tpu.memory_space<semaphore_mem>>)
      %dma_wait3A = tpu.memref_slice %arg8[%multiple_of3A_15] : memref<10000xi32, #tpu.memory_space<vmem>> -> memref<80xi32, #tpu.memory_space<vmem>>
      %dma_wait3A_19 = arith.constant 0 : i32
      %dma_wait3A_20 = arith.constant 0 : i32
      %dma_wait3A_21 = tpu.memref_slice %arg2[%dma_wait3A_19, %dma_wait3A_20] : memref<10000x128xf32, #tpu.memory_space<hbm>> -> memref<10000x128xf32, #tpu.memory_space<hbm>>
      tpu.wait_indirect_dma semaphore(%arg11 : memref<!tpu.dma_semaphore, #tpu.memory_space<semaphore_mem>>) src(%dma_wait3A_21 : memref<10000x128xf32, #tpu.memory_space<hbm>>) dst(%arg10 : memref<80x128xf32, #tpu.memory_space<vmem>>)
      "tpu.region"() ({
        %run_scoped3A = tpu.sem_alloc : memref<!tpu.dma_semaphore, #tpu.memory_space<semaphore_mem>>
        %dma_start3A_22 = arith.constant 0 : i32
        %dma_start3A_23 = tpu.memref_slice %arg9[%scan3A_12, %dma_start3A_22] : memref<125x80xi32, #tpu.memory_space<vmem>> -> memref<1x80xi32, #tpu.memory_space<vmem>>
        %dma_start3A_24 = tpu.memref_squeeze %dma_start3A_23 : memref<1x80xi32, #tpu.memory_space<vmem>> -> memref<80xi32, #tpu.memory_space<vmem>>
        %dma_start3A_25 = arith.constant 0 : i32
        %dma_start3A_26 = arith.constant 0 : i32
        %dma_start3A_27 = tpu.memref_slice %arg7[%dma_start3A_25, %dma_start3A_26] : memref<10240x128xf32, #tpu.memory_space<vmem_shared>> -> memref<10240x128xf32, #tpu.memory_space<vmem_shared>>
        tpu.enqueue_indirect_dma source(%arg10 : memref<80x128xf32, #tpu.memory_space<vmem>>) target(%dma_start3A_27 : memref<10240x128xf32, #tpu.memory_space<vmem_shared>>) offsets(%dma_start3A_24 : memref<80xi32, #tpu.memory_space<vmem>>) semaphore(%run_scoped3A : memref<!tpu.dma_semaphore, #tpu.memory_space<semaphore_mem>>) {add = true}
        %dma_wait3A_28 = arith.constant 0 : i32
        %dma_wait3A_29 = tpu.memref_slice %arg9[%scan3A_12, %dma_wait3A_28] : memref<125x80xi32, #tpu.memory_space<vmem>> -> memref<1x80xi32, #tpu.memory_space<vmem>>
        %dma_wait3A_30 = tpu.memref_squeeze %dma_wait3A_29 : memref<1x80xi32, #tpu.memory_space<vmem>> -> memref<80xi32, #tpu.memory_space<vmem>>
        %dma_wait3A_31 = arith.constant 0 : i32
        %dma_wait3A_32 = arith.constant 0 : i32
        %dma_wait3A_33 = tpu.memref_slice %arg7[%dma_wait3A_31, %dma_wait3A_32] : memref<10240x128xf32, #tpu.memory_space<vmem_shared>> -> memref<10240x128xf32, #tpu.memory_space<vmem_shared>>
        tpu.wait_indirect_dma semaphore(%run_scoped3A : memref<!tpu.dma_semaphore, #tpu.memory_space<semaphore_mem>>) src(%arg10 : memref<80x128xf32, #tpu.memory_space<vmem>>) dst(%dma_wait3A_33 : memref<10240x128xf32, #tpu.memory_space<vmem_shared>>)
        tpu.yield
      }) : () -> ()
    }
    %scan3A_10 = arith.constant 125 : i32
    %barrier3A_11 = arith.constant 0 : index
    tpu.barrier barrier_id(%barrier3A_11)
    "tpu.region"() ({
      %run_scoped3A = tpu.sem_alloc : memref<!tpu.dma_semaphore, #tpu.memory_space<semaphore_mem>>
      %dma_start3A = arith.constant 0 : i32
      %dma_start3A_12 = arith.constant 0 : i32
      %dma_start3A_13 = tpu.memref_slice %arg6[%arg0, %dma_start3A, %dma_start3A_12] : memref<2x10240x128xf32, #tpu.memory_space<hbm>> -> memref<1x10240x128xf32, #tpu.memory_space<hbm>>
      %dma_start3A_14 = tpu.memref_squeeze %dma_start3A_13 : memref<1x10240x128xf32, #tpu.memory_space<hbm>> -> memref<10240x128xf32, #tpu.memory_space<hbm>>
      %dma_start3A_15 = arith.constant 0 : i32
      %dma_start3A_16 = tpu.memref_slice %dma_start3A_14[%multiple_of3A, %dma_start3A_15] : memref<10240x128xf32, #tpu.memory_space<hbm>> -> memref<640x128xf32, #tpu.memory_space<hbm>>
      %dma_start3A_17 = arith.constant 0 : i32
      %dma_start3A_18 = tpu.memref_slice %arg7[%multiple_of3A, %dma_start3A_17] : memref<10240x128xf32, #tpu.memory_space<vmem_shared>> -> memref<640x128xf32, #tpu.memory_space<vmem_shared>>
      tpu.enqueue_dma source(%dma_start3A_18 : memref<640x128xf32, #tpu.memory_space<vmem_shared>>) target(%dma_start3A_16 : memref<640x128xf32, #tpu.memory_space<hbm>>) target_semaphore(%run_scoped3A : memref<!tpu.dma_semaphore, #tpu.memory_space<semaphore_mem>>)
      %dma_wait3A = arith.constant 0 : i32
      %dma_wait3A_19 = arith.constant 0 : i32
      %dma_wait3A_20 = tpu.memref_slice %arg6[%arg0, %dma_wait3A, %dma_wait3A_19] : memref<2x10240x128xf32, #tpu.memory_space<hbm>> -> memref<1x10240x128xf32, #tpu.memory_space<hbm>>
      %dma_wait3A_21 = tpu.memref_squeeze %dma_wait3A_20 : memref<1x10240x128xf32, #tpu.memory_space<hbm>> -> memref<10240x128xf32, #tpu.memory_space<hbm>>
      %dma_wait3A_22 = arith.constant 0 : i32
      %dma_wait3A_23 = tpu.memref_slice %dma_wait3A_21[%multiple_of3A, %dma_wait3A_22] : memref<10240x128xf32, #tpu.memory_space<hbm>> -> memref<640x128xf32, #tpu.memory_space<hbm>>
      %dma_wait3A_24 = arith.constant 0 : i32
      %dma_wait3A_25 = tpu.memref_slice %arg7[%multiple_of3A, %dma_wait3A_24] : memref<10240x128xf32, #tpu.memory_space<vmem_shared>> -> memref<640x128xf32, #tpu.memory_space<vmem_shared>>
      tpu.wait_dma2 semaphore(%run_scoped3A : memref<!tpu.dma_semaphore, #tpu.memory_space<semaphore_mem>>) src(%dma_wait3A_25 : memref<640x128xf32, #tpu.memory_space<vmem_shared>>) dst(%dma_wait3A_23 : memref<640x128xf32, #tpu.memory_space<hbm>>)
      tpu.yield
    }) : () -> ()
    return
  }
}

#map = affine_map<(d0, d1) -> (0, 0)>
#map1 = affine_map<(d0, d1) -> (0)>
#map2 = affine_map<(d0, d1) -> (0, 0, 0)>
module attributes {stable_mosaic.version = 14 : i64} {
  func.func @body(%arg0: i32, %arg1: i32, %arg2: memref<10000x128xf32, #tpu.memory_space<hbm>>, %arg3: memref<320000xi32, #tpu.memory_space<hbm>>, %arg4: memref<32x125x80xi32, #tpu.memory_space<hbm>>, %arg5: memref<640x128xf32, #tpu.memory_space<hbm>>, %arg6: memref<2x10240x128xf32, #tpu.memory_space<hbm>>, %arg7: memref<10240x128xf32, #tpu.memory_space<vmem_shared>>, %arg8: memref<10000xi32, #tpu.memory_space<vmem>>, %arg9: memref<125x80xi32, #tpu.memory_space<vmem>>, %arg10: memref<80x128xf32, #tpu.memory_space<vmem>>, %arg11: memref<!tpu.dma_semaphore, #tpu.memory_space<semaphore_mem>>) attributes {dimension_semantics = [#tpu.dimension_semantics<core_parallel>, #tpu.dimension_semantics<subcore_parallel>], iteration_bounds = array<i64: 2, 16>, scalar_prefetch = 0 : i64, scratch_operands = 5 : i64, tpu.core_type = #tpu.core_type<sc_vector_subcore>, window_params = [{transform_indices = #map}, {transform_indices = #map1}, {transform_indices = #map2}, {transform_indices = #map}, {transform_indices = #map2}]} {
    %mul3A = arith.constant 2 : i32
    %mul3A_0 = arith.muli %arg1, %mul3A : i32
    %add3A = arith.addi %mul3A_0, %arg0 : i32
    %mul3A_1 = arith.constant 640 : i32
    %mul3A_2 = arith.muli %arg1, %mul3A_1 : i32
    %multiple_of3A = tpu.assume_multiple %mul3A_2, 8 : i32
    "tpu.region"() ({
      %run_scoped3A = tpu.sem_alloc : memref<!tpu.dma_semaphore, #tpu.memory_space<semaphore_mem>>
      %dma_start3A = arith.constant 0 : i32
      %dma_start3A_12 = tpu.memref_slice %arg7[%multiple_of3A, %dma_start3A] : memref<10240x128xf32, #tpu.memory_space<vmem_shared>> -> memref<640x128xf32, #tpu.memory_space<vmem_shared>>
      tpu.enqueue_dma source(%arg5 : memref<640x128xf32, #tpu.memory_space<hbm>>) target(%dma_start3A_12 : memref<640x128xf32, #tpu.memory_space<vmem_shared>>) target_semaphore(%run_scoped3A : memref<!tpu.dma_semaphore, #tpu.memory_space<semaphore_mem>>)
      %dma_wait3A = arith.constant 0 : i32
      %dma_wait3A_13 = tpu.memref_slice %arg7[%multiple_of3A, %dma_wait3A] : memref<10240x128xf32, #tpu.memory_space<vmem_shared>> -> memref<640x128xf32, #tpu.memory_space<vmem_shared>>
      tpu.wait_dma2 semaphore(%run_scoped3A : memref<!tpu.dma_semaphore, #tpu.memory_space<semaphore_mem>>) src(%arg5 : memref<640x128xf32, #tpu.memory_space<hbm>>) dst(%dma_wait3A_13 : memref<640x128xf32, #tpu.memory_space<vmem_shared>>)
      tpu.yield
    }) : () -> ()
    %mul3A_3 = arith.constant 10000 : i32
    %mul3A_4 = arith.muli %add3A, %mul3A_3 : i32
    %multiple_of3A_5 = tpu.assume_multiple %mul3A_4, 8 : i32
    "tpu.region"() ({
      %run_scoped3A = tpu.sem_alloc : memref<!tpu.dma_semaphore, #tpu.memory_space<semaphore_mem>>
      %dma_start3A = tpu.memref_slice %arg3[%multiple_of3A_5] : memref<320000xi32, #tpu.memory_space<hbm>> -> memref<10000xi32, #tpu.memory_space<hbm>>
      %dma_start3A_12 = tpu.memref_slice %arg3[%multiple_of3A_5] : memref<320000xi32, #tpu.memory_space<hbm>> -> memref<10000xi32, #tpu.memory_space<hbm>>
      tpu.enqueue_dma source(%dma_start3A_12 : memref<10000xi32, #tpu.memory_space<hbm>>) target(%arg8 : memref<10000xi32, #tpu.memory_space<vmem>>) target_semaphore(%run_scoped3A : memref<!tpu.dma_semaphore, #tpu.memory_space<semaphore_mem>>)
      %dma_wait3A = tpu.memref_slice %arg3[%multiple_of3A_5] : memref<320000xi32, #tpu.memory_space<hbm>> -> memref<10000xi32, #tpu.memory_space<hbm>>
      %dma_wait3A_13 = tpu.memref_slice %arg3[%multiple_of3A_5] : memref<320000xi32, #tpu.memory_space<hbm>> -> memref<10000xi32, #tpu.memory_space<hbm>>
      tpu.wait_dma2 semaphore(%run_scoped3A : memref<!tpu.dma_semaphore, #tpu.memory_space<semaphore_mem>>) src(%dma_wait3A_13 : memref<10000xi32, #tpu.memory_space<hbm>>) dst(%arg8 : memref<10000xi32, #tpu.memory_space<vmem>>)
      tpu.yield
    }) : () -> ()
    "tpu.region"() ({
      %run_scoped3A = tpu.sem_alloc : memref<!tpu.dma_semaphore, #tpu.memory_space<semaphore_mem>>
      %dma_start3A = arith.constant 0 : i32
      %dma_start3A_12 = arith.constant 0 : i32
      %dma_start3A_13 = tpu.memref_slice %arg4[%add3A, %dma_start3A, %dma_start3A_12] : memref<32x125x80xi32, #tpu.memory_space<hbm>> -> memref<1x125x80xi32, #tpu.memory_space<hbm>>
      %dma_start3A_14 = tpu.memref_squeeze %dma_start3A_13 : memref<1x125x80xi32, #tpu.memory_space<hbm>> -> memref<125x80xi32, #tpu.memory_space<hbm>>
      %dma_start3A_15 = arith.constant 0 : i32
      %dma_start3A_16 = arith.constant 0 : i32
      %dma_start3A_17 = tpu.memref_slice %arg4[%add3A, %dma_start3A_15, %dma_start3A_16] : memref<32x125x80xi32, #tpu.memory_space<hbm>> -> memref<1x125x80xi32, #tpu.memory_space<hbm>>
      %dma_start3A_18 = tpu.memref_squeeze %dma_start3A_17 : memref<1x125x80xi32, #tpu.memory_space<hbm>> -> memref<125x80xi32, #tpu.memory_space<hbm>>
      tpu.enqueue_dma source(%dma_start3A_18 : memref<125x80xi32, #tpu.memory_space<hbm>>) target(%arg9 : memref<125x80xi32, #tpu.memory_space<vmem>>) target_semaphore(%run_scoped3A : memref<!tpu.dma_semaphore, #tpu.memory_space<semaphore_mem>>)
      %dma_wait3A = arith.constant 0 : i32
      %dma_wait3A_19 = arith.constant 0 : i32
      %dma_wait3A_20 = tpu.memref_slice %arg4[%add3A, %dma_wait3A, %dma_wait3A_19] : memref<32x125x80xi32, #tpu.memory_space<hbm>> -> memref<1x125x80xi32, #tpu.memory_space<hbm>>
      %dma_wait3A_21 = tpu.memref_squeeze %dma_wait3A_20 : memref<1x125x80xi32, #tpu.memory_space<hbm>> -> memref<125x80xi32, #tpu.memory_space<hbm>>
      %dma_wait3A_22 = arith.constant 0 : i32
      %dma_wait3A_23 = arith.constant 0 : i32
      %dma_wait3A_24 = tpu.memref_slice %arg4[%add3A, %dma_wait3A_22, %dma_wait3A_23] : memref<32x125x80xi32, #tpu.memory_space<hbm>> -> memref<1x125x80xi32, #tpu.memory_space<hbm>>
      %dma_wait3A_25 = tpu.memref_squeeze %dma_wait3A_24 : memref<1x125x80xi32, #tpu.memory_space<hbm>> -> memref<125x80xi32, #tpu.memory_space<hbm>>
      tpu.wait_dma2 semaphore(%run_scoped3A : memref<!tpu.dma_semaphore, #tpu.memory_space<semaphore_mem>>) src(%dma_wait3A_25 : memref<125x80xi32, #tpu.memory_space<hbm>>) dst(%arg9 : memref<125x80xi32, #tpu.memory_space<vmem>>)
      tpu.yield
    }) : () -> ()
    %barrier3A = arith.constant 0 : index
    tpu.barrier barrier_id(%barrier3A)
    %scan3A = arith.constant 0 : i32
    %scan3A_6 = arith.constant 0 : i32
    %scan3A_7 = arith.constant 125 : i32
    %scan3A_8 = arith.addi %scan3A_6, %scan3A_7 : i32
    %scan3A_9 = arith.constant 1 : i32
    scf.for %scan3A_12 = %scan3A_6 to %scan3A_8 step %scan3A_9  : i32 {
      %mul3A_13 = arith.constant 80 : i32
      %mul3A_14 = arith.muli %scan3A_12, %mul3A_13 : i32
      %multiple_of3A_15 = tpu.assume_multiple %mul3A_14, 8 : i32
      %dma_start3A = tpu.memref_slice %arg8[%multiple_of3A_15] : memref<10000xi32, #tpu.memory_space<vmem>> -> memref<80xi32, #tpu.memory_space<vmem>>
      %dma_start3A_16 = arith.constant 0 : i32
      %dma_start3A_17 = arith.constant 0 : i32
      %dma_start3A_18 = tpu.memref_slice %arg2[%dma_start3A_16, %dma_start3A_17] : memref<10000x128xf32, #tpu.memory_space<hbm>> -> memref<10000x128xf32, #tpu.memory_space<hbm>>
      tpu.enqueue_indirect_dma source(%dma_start3A_18 : memref<10000x128xf32, #tpu.memory_space<hbm>>) target(%arg10 : memref<80x128xf32, #tpu.memory_space<vmem>>) offsets(%dma_start3A : memref<80xi32, #tpu.memory_space<vmem>>) semaphore(%arg11 : memref<!tpu.dma_semaphore, #tpu.memory_space<semaphore_mem>>)
      %dma_wait3A = tpu.memref_slice %arg8[%multiple_of3A_15] : memref<10000xi32, #tpu.memory_space<vmem>> -> memref<80xi32, #tpu.memory_space<vmem>>
      %dma_wait3A_19 = arith.constant 0 : i32
      %dma_wait3A_20 = arith.constant 0 : i32
      %dma_wait3A_21 = tpu.memref_slice %arg2[%dma_wait3A_19, %dma_wait3A_20] : memref<10000x128xf32, #tpu.memory_space<hbm>> -> memref<10000x128xf32, #tpu.memory_space<hbm>>
      tpu.wait_indirect_dma semaphore(%arg11 : memref<!tpu.dma_semaphore, #tpu.memory_space<semaphore_mem>>) src(%dma_wait3A_21 : memref<10000x128xf32, #tpu.memory_space<hbm>>) dst(%arg10 : memref<80x128xf32, #tpu.memory_space<vmem>>)
      "tpu.region"() ({
        %run_scoped3A = tpu.sem_alloc : memref<!tpu.dma_semaphore, #tpu.memory_space<semaphore_mem>>
        %dma_start3A_22 = arith.constant 0 : i32
        %dma_start3A_23 = tpu.memref_slice %arg9[%scan3A_12, %dma_start3A_22] : memref<125x80xi32, #tpu.memory_space<vmem>> -> memref<1x80xi32, #tpu.memory_space<vmem>>
        %dma_start3A_24 = tpu.memref_squeeze %dma_start3A_23 : memref<1x80xi32, #tpu.memory_space<vmem>> -> memref<80xi32, #tpu.memory_space<vmem>>
        %dma_start3A_25 = arith.constant 0 : i32
        %dma_start3A_26 = arith.constant 0 : i32
        %dma_start3A_27 = tpu.memref_slice %arg7[%dma_start3A_25, %dma_start3A_26] : memref<10240x128xf32, #tpu.memory_space<vmem_shared>> -> memref<10240x128xf32, #tpu.memory_space<vmem_shared>>
        tpu.enqueue_indirect_dma source(%arg10 : memref<80x128xf32, #tpu.memory_space<vmem>>) target(%dma_start3A_27 : memref<10240x128xf32, #tpu.memory_space<vmem_shared>>) offsets(%dma_start3A_24 : memref<80xi32, #tpu.memory_space<vmem>>) semaphore(%run_scoped3A : memref<!tpu.dma_semaphore, #tpu.memory_space<semaphore_mem>>) {add = true}
        %dma_wait3A_28 = arith.constant 0 : i32
        %dma_wait3A_29 = tpu.memref_slice %arg9[%scan3A_12, %dma_wait3A_28] : memref<125x80xi32, #tpu.memory_space<vmem>> -> memref<1x80xi32, #tpu.memory_space<vmem>>
        %dma_wait3A_30 = tpu.memref_squeeze %dma_wait3A_29 : memref<1x80xi32, #tpu.memory_space<vmem>> -> memref<80xi32, #tpu.memory_space<vmem>>
        %dma_wait3A_31 = arith.constant 0 : i32
        %dma_wait3A_32 = arith.constant 0 : i32
        %dma_wait3A_33 = tpu.memref_slice %arg7[%dma_wait3A_31, %dma_wait3A_32] : memref<10240x128xf32, #tpu.memory_space<vmem_shared>> -> memref<10240x128xf32, #tpu.memory_space<vmem_shared>>
        tpu.wait_indirect_dma semaphore(%run_scoped3A : memref<!tpu.dma_semaphore, #tpu.memory_space<semaphore_mem>>) src(%arg10 : memref<80x128xf32, #tpu.memory_space<vmem>>) dst(%dma_wait3A_33 : memref<10240x128xf32, #tpu.memory_space<vmem_shared>>)
        tpu.yield
      }) : () -> ()
    }
    %scan3A_10 = arith.constant 125 : i32
    %barrier3A_11 = arith.constant 0 : index
    tpu.barrier barrier_id(%barrier3A_11)
    "tpu.region"() ({
      %run_scoped3A = tpu.sem_alloc : memref<!tpu.dma_semaphore, #tpu.memory_space<semaphore_mem>>
      %dma_start3A = arith.constant 0 : i32
      %dma_start3A_12 = arith.constant 0 : i32
      %dma_start3A_13 = tpu.memref_slice %arg6[%arg0, %dma_start3A, %dma_start3A_12] : memref<2x10240x128xf32, #tpu.memory_space<hbm>> -> memref<1x10240x128xf32, #tpu.memory_space<hbm>>
      %dma_start3A_14 = tpu.memref_squeeze %dma_start3A_13 : memref<1x10240x128xf32, #tpu.memory_space<hbm>> -> memref<10240x128xf32, #tpu.memory_space<hbm>>
      %dma_start3A_15 = arith.constant 0 : i32
      %dma_start3A_16 = tpu.memref_slice %dma_start3A_14[%multiple_of3A, %dma_start3A_15] : memref<10240x128xf32, #tpu.memory_space<hbm>> -> memref<640x128xf32, #tpu.memory_space<hbm>>
      %dma_start3A_17 = arith.constant 0 : i32
      %dma_start3A_18 = tpu.memref_slice %arg7[%multiple_of3A, %dma_start3A_17] : memref<10240x128xf32, #tpu.memory_space<vmem_shared>> -> memref<640x128xf32, #tpu.memory_space<vmem_shared>>
      tpu.enqueue_dma source(%dma_start3A_18 : memref<640x128xf32, #tpu.memory_space<vmem_shared>>) target(%dma_start3A_16 : memref<640x128xf32, #tpu.memory_space<hbm>>) target_semaphore(%run_scoped3A : memref<!tpu.dma_semaphore, #tpu.memory_space<semaphore_mem>>)
      %dma_wait3A = arith.constant 0 : i32
      %dma_wait3A_19 = arith.constant 0 : i32
      %dma_wait3A_20 = tpu.memref_slice %arg6[%arg0, %dma_wait3A, %dma_wait3A_19] : memref<2x10240x128xf32, #tpu.memory_space<hbm>> -> memref<1x10240x128xf32, #tpu.memory_space<hbm>>
      %dma_wait3A_21 = tpu.memref_squeeze %dma_wait3A_20 : memref<1x10240x128xf32, #tpu.memory_space<hbm>> -> memref<10240x128xf32, #tpu.memory_space<hbm>>
      %dma_wait3A_22 = arith.constant 0 : i32
      %dma_wait3A_23 = tpu.memref_slice %dma_wait3A_21[%multiple_of3A, %dma_wait3A_22] : memref<10240x128xf32, #tpu.memory_space<hbm>> -> memref<640x128xf32, #tpu.memory_space<hbm>>
      %dma_wait3A_24 = arith.constant 0 : i32
      %dma_wait3A_25 = tpu.memref_slice %arg7[%multiple_of3A, %dma_wait3A_24] : memref<10240x128xf32, #tpu.memory_space<vmem_shared>> -> memref<640x128xf32, #tpu.memory_space<vmem_shared>>
      tpu.wait_dma2 semaphore(%run_scoped3A : memref<!tpu.dma_semaphore, #tpu.memory_space<semaphore_mem>>) src(%dma_wait3A_25 : memref<640x128xf32, #tpu.memory_space<vmem_shared>>) dst(%dma_wait3A_23 : memref<640x128xf32, #tpu.memory_space<hbm>>)
      tpu.yield
    }) : () -> ()
    return
  }
}

module attributes {stable_mosaic.version = 14 : i64} {
  func.func @body(%arg0: i32, %arg1: memref<1000x128xf32, #tpu.memory_space<vmem>>, %arg2: memref<128x128xf32, #tpu.memory_space<vmem>>, %arg3: memref<1000x128xf32, #tpu.memory_space<vmem>>) attributes {dimension_semantics = [#tpu.dimension_semantics<arbitrary>], iteration_bounds = array<i64: 10>, scalar_prefetch = 0 : i64, scratch_operands = 0 : i64, tpu.core_type = #tpu.core_type<tc>, window_params = [{transform_indices = @transform_0, window_bounds = array<i64: 1000, 128>}, {pipeline_mode = #tpu.pipeline_mode<synchronous>, transform_indices = @transform_1, window_bounds = array<i64: 128, 128>}, {transform_indices = @transform_2, window_bounds = array<i64: 1000, 128>}]} {
    %get3A = arith.constant 0 : index
    %get3A_0 = arith.constant 0 : index
    %get3A_1 = vector.load %arg1[%get3A, %get3A_0] : memref<1000x128xf32, #tpu.memory_space<vmem>>, vector<1000x128xf32>
    %get3A_2 = arith.constant 0 : index
    %get3A_3 = arith.constant 0 : index
    %get3A_4 = vector.load %arg2[%get3A_2, %get3A_3] : memref<128x128xf32, #tpu.memory_space<vmem>>, vector<128x128xf32>
    %dot_general3A = arith.constant dense<0.000000e+00> : vector<1000x128xf32>
    %dot_general3A_5 = tpu.matmul %get3A_1, %get3A_4, %dot_general3A {dimension_numbers = #tpu.dot_dimension_numbers<[1], [0], [0], [1], [0, 0, 1, 1], [], []>, transpose_lhs_hint = false} : vector<1000x128xf32>, vector<128x128xf32>, vector<1000x128xf32> -> vector<1000x128xf32>
    %swap3A = arith.constant 0 : index
    %swap3A_6 = arith.constant 0 : index
    %swap3A_7 = vector.load %arg3[%swap3A, %swap3A_6] : memref<1000x128xf32, #tpu.memory_space<vmem>>, vector<1000x128xf32>
    tpu.vector_store %arg3[%swap3A, %swap3A_6], %dot_general3A_5 {strides = array<i32>} : memref<1000x128xf32, #tpu.memory_space<vmem>>, vector<1000x128xf32>,
    return
  }
  func.func @transform_0(%arg0: i32) -> (i32, i32) {
    %c0_i32 = arith.constant 0 : i32
    %c0_i32_0 = arith.constant 0 : i32
    return %arg0, %c0_i32 : i32, i32
  }
  func.func @transform_1(%arg0: i32) -> (i32, i32) {
    %c0_i32 = arith.constant 0 : i32
    %c0_i32_0 = arith.constant 0 : i32
    %c0_i32_1 = arith.constant 0 : i32
    return %c0_i32, %c0_i32_0 : i32, i32
  }
  func.func @transform_2(%arg0: i32) -> (i32, i32) {
    %c0_i32 = arith.constant 0 : i32
    %c0_i32_0 = arith.constant 0 : i32
    return %arg0, %c0_i32 : i32, i32
  }
}

module attributes {stable_mosaic.version = 14 : i64} {
  func.func @body(%arg0: i32, %arg1: memref<2x1000x128xf32, #tpu.memory_space<vmem>>, %arg2: memref<1x1000x1xf32, #tpu.memory_space<vmem>>, %arg3: memref<1000x128xf32, #tpu.memory_space<vmem>>, %arg4: memref<128x128xf32, #tpu.memory_space<vmem>>, %arg5: memref<1x128xf32, #tpu.memory_space<vmem>>, %arg6: memref<1x128xf32, #tpu.memory_space<vmem>>, %arg7: memref<1x128xf32, #tpu.memory_space<vmem>>, %arg8: memref<128x128xf32, #tpu.memory_space<vmem>>, %arg9: memref<1000x128xf32, #tpu.memory_space<vmem>>, %arg10: memref<1000x128xf32, #tpu.memory_space<vmem>>) attributes {dimension_semantics = [#tpu.dimension_semantics<arbitrary>], iteration_bounds = array<i64: 10>, scalar_prefetch = 0 : i64, scratch_operands = 0 : i64, tpu.core_type = #tpu.core_type<tc>, window_params = [{transform_indices = @transform_0, window_bounds = array<i64: 2, 1000, 128>}, {transform_indices = @transform_1, window_bounds = array<i64: 1, 1000, 1>}, {transform_indices = @transform_2, window_bounds = array<i64: 1000, 128>}, {pipeline_mode = #tpu.pipeline_mode<synchronous>, transform_indices = @transform_3, window_bounds = array<i64: 128, 128>}, {pipeline_mode = #tpu.pipeline_mode<synchronous>, transform_indices = @transform_4, window_bounds = array<i64: 1, 128>}, {pipeline_mode = #tpu.pipeline_mode<synchronous>, transform_indices = @transform_5, window_bounds = array<i64: 1, 128>}, {pipeline_mode = #tpu.pipeline_mode<synchronous>, transform_indices = @transform_6, window_bounds = array<i64: 1, 128>}, {pipeline_mode = #tpu.pipeline_mode<synchronous>, transform_indices = @transform_7, window_bounds = array<i64: 128, 128>}, {transform_indices = @transform_8, window_bounds = array<i64: 1000, 128>}, {transform_indices = @transform_9, window_bounds = array<i64: 1000, 128>}]} {
    %get3A = arith.constant 0 : index
    %get3A_0 = arith.constant 0 : index
    %get3A_1 = arith.constant 0 : index
    %get3A_2 = vector.load %arg1[%get3A, %get3A_0, %get3A_1] : memref<2x1000x128xf32, #tpu.memory_space<vmem>>, vector<1x1000x128xf32>
    %get3A_3 = vector.shape_cast %get3A_2 : vector<1x1000x128xf32> to vector<1000x128xf32>
    %get3A_4 = arith.constant 1 : index
    %get3A_5 = arith.constant 0 : index
    %get3A_6 = arith.constant 0 : index
    %get3A_7 = vector.load %arg1[%get3A_4, %get3A_5, %get3A_6] : memref<2x1000x128xf32, #tpu.memory_space<vmem>>, vector<1x1000x128xf32>
    %get3A_8 = vector.shape_cast %get3A_7 : vector<1x1000x128xf32> to vector<1000x128xf32>
    %add3A = arith.addf %get3A_3, %get3A_8 : vector<1000x128xf32>
    %get3A_9 = arith.constant 0 : index
    %get3A_10 = arith.constant 0 : index
    %get3A_11 = arith.constant 0 : index
    %get3A_12 = vector.load %arg2[%get3A_9, %get3A_10, %get3A_11] : memref<1x1000x1xf32, #tpu.memory_space<vmem>>, vector<1x1000x1xf32>
    %get3A_13 = vector.shape_cast %get3A_12 : vector<1x1000x1xf32> to vector<1000x1xf32>
    %mul3A = vector.broadcast %get3A_13 : vector<1000x1xf32> to vector<1000x128xf32>
    %mul3A_14 = arith.mulf %add3A, %mul3A : vector<1000x128xf32>
    %get3A_15 = arith.constant 0 : index
    %get3A_16 = arith.constant 0 : index
    %get3A_17 = vector.load %arg3[%get3A_15, %get3A_16] : memref<1000x128xf32, #tpu.memory_space<vmem>>, vector<1000x128xf32>
    %get3A_18 = arith.constant 0 : index
    %get3A_19 = arith.constant 0 : index
    %get3A_20 = vector.load %arg4[%get3A_18, %get3A_19] : memref<128x128xf32, #tpu.memory_space<vmem>>, vector<128x128xf32>
    %dot_general3A = arith.constant dense<0.000000e+00> : vector<1000x128xf32>
    %dot_general3A_21 = tpu.matmul %get3A_17, %get3A_20, %dot_general3A {dimension_numbers = #tpu.dot_dimension_numbers<[1], [0], [0], [1], [0, 0, 1, 1], [], []>, transpose_lhs_hint = false} : vector<1000x128xf32>, vector<128x128xf32>, vector<1000x128xf32> -> vector<1000x128xf32>
    %add3A_22 = arith.addf %mul3A_14, %dot_general3A_21 : vector<1000x128xf32>
    %get3A_23 = arith.constant 0 : index
    %get3A_24 = arith.constant 0 : index
    %get3A_25 = vector.load %arg5[%get3A_23, %get3A_24] : memref<1x128xf32, #tpu.memory_space<vmem>>, vector<1x128xf32>
    %add3A_26 = vector.broadcast %get3A_25 : vector<1x128xf32> to vector<1000x128xf32>
    %add3A_27 = arith.addf %add3A_22, %add3A_26 : vector<1000x128xf32>
    %get3A_28 = arith.constant 0 : index
    %get3A_29 = arith.constant 0 : index
    %get3A_30 = vector.load %arg6[%get3A_28, %get3A_29] : memref<1x128xf32, #tpu.memory_space<vmem>>, vector<1x128xf32>
    %mul3A_31 = vector.broadcast %get3A_30 : vector<1x128xf32> to vector<1000x128xf32>
    %mul3A_32 = arith.mulf %add3A_27, %mul3A_31 : vector<1000x128xf32>
    %get3A_33 = arith.constant 0 : index
    %get3A_34 = arith.constant 0 : index
    %get3A_35 = vector.load %arg7[%get3A_33, %get3A_34] : memref<1x128xf32, #tpu.memory_space<vmem>>, vector<1x128xf32>
    %add3A_36 = vector.broadcast %get3A_35 : vector<1x128xf32> to vector<1000x128xf32>
    %add3A_37 = arith.addf %mul3A_32, %add3A_36 : vector<1000x128xf32>
    %max3A = arith.constant 0.000000e+00 : f32
    %max3A_38 = vector.broadcast %max3A : f32 to vector<1000x128xf32>
    %max3A_39 = arith.maximumf %add3A_37, %max3A_38 : vector<1000x128xf32>
    %swap3A = arith.constant 0 : index
    %swap3A_40 = arith.constant 0 : index
    %swap3A_41 = vector.load %arg9[%swap3A, %swap3A_40] : memref<1000x128xf32, #tpu.memory_space<vmem>>, vector<1000x128xf32>
    tpu.vector_store %arg9[%swap3A, %swap3A_40], %max3A_39 {strides = array<i32>} : memref<1000x128xf32, #tpu.memory_space<vmem>>, vector<1000x128xf32>,
    %get3A_42 = arith.constant 0 : index
    %get3A_43 = arith.constant 0 : index
    %get3A_44 = vector.load %arg8[%get3A_42, %get3A_43] : memref<128x128xf32, #tpu.memory_space<vmem>>, vector<128x128xf32>
    %dot_general3A_45 = arith.constant dense<0.000000e+00> : vector<1000x128xf32>
    %dot_general3A_46 = tpu.matmul %max3A_39, %get3A_44, %dot_general3A_45 {dimension_numbers = #tpu.dot_dimension_numbers<[1], [0], [0], [1], [0, 0, 1, 1], [], []>, transpose_lhs_hint = false} : vector<1000x128xf32>, vector<128x128xf32>, vector<1000x128xf32> -> vector<1000x128xf32>
    %swap3A_47 = arith.constant 0 : index
    %swap3A_48 = arith.constant 0 : index
    %swap3A_49 = vector.load %arg10[%swap3A_47, %swap3A_48] : memref<1000x128xf32, #tpu.memory_space<vmem>>, vector<1000x128xf32>
    tpu.vector_store %arg10[%swap3A_47, %swap3A_48], %dot_general3A_46 {strides = array<i32>} : memref<1000x128xf32, #tpu.memory_space<vmem>>, vector<1000x128xf32>,
    return
  }
  func.func @transform_0(%arg0: i32) -> (i32, i32, i32) {
    %c0_i32 = arith.constant 0 : i32
    %c0_i32_0 = arith.constant 0 : i32
    %c0_i32_1 = arith.constant 0 : i32
    return %c0_i32, %arg0, %c0_i32_0 : i32, i32, i32
  }
  func.func @transform_1(%arg0: i32) -> (i32, i32, i32) {
    %c0_i32 = arith.constant 0 : i32
    %c0_i32_0 = arith.constant 0 : i32
    %c0_i32_1 = arith.constant 0 : i32
    return %arg0, %c0_i32, %c0_i32_0 : i32, i32, i32
  }
  func.func @transform_2(%arg0: i32) -> (i32, i32) {
    %c0_i32 = arith.constant 0 : i32
    %c0_i32_0 = arith.constant 0 : i32
    return %arg0, %c0_i32 : i32, i32
  }
  func.func @transform_3(%arg0: i32) -> (i32, i32) {
    %c0_i32 = arith.constant 0 : i32
    %c0_i32_0 = arith.constant 0 : i32
    %c0_i32_1 = arith.constant 0 : i32
    return %c0_i32, %c0_i32_0 : i32, i32
  }
  func.func @transform_4(%arg0: i32) -> (i32, i32) {
    %c0_i32 = arith.constant 0 : i32
    %c0_i32_0 = arith.constant 0 : i32
    %c0_i32_1 = arith.constant 0 : i32
    return %c0_i32, %c0_i32_0 : i32, i32
  }
  func.func @transform_5(%arg0: i32) -> (i32, i32) {
    %c0_i32 = arith.constant 0 : i32
    %c0_i32_0 = arith.constant 0 : i32
    %c0_i32_1 = arith.constant 0 : i32
    return %c0_i32, %c0_i32_0 : i32, i32
  }
  func.func @transform_6(%arg0: i32) -> (i32, i32) {
    %c0_i32 = arith.constant 0 : i32
    %c0_i32_0 = arith.constant 0 : i32
    %c0_i32_1 = arith.constant 0 : i32
    return %c0_i32, %c0_i32_0 : i32, i32
  }
  func.func @transform_7(%arg0: i32) -> (i32, i32) {
    %c0_i32 = arith.constant 0 : i32
    %c0_i32_0 = arith.constant 0 : i32
    %c0_i32_1 = arith.constant 0 : i32
    return %c0_i32, %c0_i32_0 : i32, i32
  }
  func.func @transform_8(%arg0: i32) -> (i32, i32) {
    %c0_i32 = arith.constant 0 : i32
    %c0_i32_0 = arith.constant 0 : i32
    return %arg0, %c0_i32 : i32, i32
  }
  func.func @transform_9(%arg0: i32) -> (i32, i32) {
    %c0_i32 = arith.constant 0 : i32
    %c0_i32_0 = arith.constant 0 : i32
    return %arg0, %c0_i32 : i32, i32
  }
}

module attributes {stable_mosaic.version = 14 : i64} {
  func.func @body(%arg0: i32, %arg1: memref<2x1000x128xf32, #tpu.memory_space<vmem>>, %arg2: memref<1x1000x1xf32, #tpu.memory_space<vmem>>, %arg3: memref<1000x128xf32, #tpu.memory_space<vmem>>, %arg4: memref<128x128xf32, #tpu.memory_space<vmem>>, %arg5: memref<1x128xf32, #tpu.memory_space<vmem>>, %arg6: memref<1x128xf32, #tpu.memory_space<vmem>>, %arg7: memref<1x128xf32, #tpu.memory_space<vmem>>, %arg8: memref<128x16xf32, #tpu.memory_space<vmem>>, %arg9: memref<1000x128xf32, #tpu.memory_space<vmem>>, %arg10: memref<1000x16xf32, #tpu.memory_space<vmem>>) attributes {dimension_semantics = [#tpu.dimension_semantics<arbitrary>], iteration_bounds = array<i64: 10>, scalar_prefetch = 0 : i64, scratch_operands = 0 : i64, tpu.core_type = #tpu.core_type<tc>, window_params = [{transform_indices = @transform_0, window_bounds = array<i64: 2, 1000, 128>}, {transform_indices = @transform_1, window_bounds = array<i64: 1, 1000, 1>}, {transform_indices = @transform_2, window_bounds = array<i64: 1000, 128>}, {pipeline_mode = #tpu.pipeline_mode<synchronous>, transform_indices = @transform_3, window_bounds = array<i64: 128, 128>}, {pipeline_mode = #tpu.pipeline_mode<synchronous>, transform_indices = @transform_4, window_bounds = array<i64: 1, 128>}, {pipeline_mode = #tpu.pipeline_mode<synchronous>, transform_indices = @transform_5, window_bounds = array<i64: 1, 128>}, {pipeline_mode = #tpu.pipeline_mode<synchronous>, transform_indices = @transform_6, window_bounds = array<i64: 1, 128>}, {pipeline_mode = #tpu.pipeline_mode<synchronous>, transform_indices = @transform_7, window_bounds = array<i64: 128, 16>}, {transform_indices = @transform_8, window_bounds = array<i64: 1000, 128>}, {transform_indices = @transform_9, window_bounds = array<i64: 1000, 16>}]} {
    %get3A = arith.constant 0 : index
    %get3A_0 = arith.constant 0 : index
    %get3A_1 = arith.constant 0 : index
    %get3A_2 = vector.load %arg1[%get3A, %get3A_0, %get3A_1] : memref<2x1000x128xf32, #tpu.memory_space<vmem>>, vector<1x1000x128xf32>
    %get3A_3 = vector.shape_cast %get3A_2 : vector<1x1000x128xf32> to vector<1000x128xf32>
    %get3A_4 = arith.constant 1 : index
    %get3A_5 = arith.constant 0 : index
    %get3A_6 = arith.constant 0 : index
    %get3A_7 = vector.load %arg1[%get3A_4, %get3A_5, %get3A_6] : memref<2x1000x128xf32, #tpu.memory_space<vmem>>, vector<1x1000x128xf32>
    %get3A_8 = vector.shape_cast %get3A_7 : vector<1x1000x128xf32> to vector<1000x128xf32>
    %add3A = arith.addf %get3A_3, %get3A_8 : vector<1000x128xf32>
    %get3A_9 = arith.constant 0 : index
    %get3A_10 = arith.constant 0 : index
    %get3A_11 = arith.constant 0 : index
    %get3A_12 = vector.load %arg2[%get3A_9, %get3A_10, %get3A_11] : memref<1x1000x1xf32, #tpu.memory_space<vmem>>, vector<1x1000x1xf32>
    %get3A_13 = vector.shape_cast %get3A_12 : vector<1x1000x1xf32> to vector<1000x1xf32>
    %mul3A = vector.broadcast %get3A_13 : vector<1000x1xf32> to vector<1000x128xf32>
    %mul3A_14 = arith.mulf %add3A, %mul3A : vector<1000x128xf32>
    %get3A_15 = arith.constant 0 : index
    %get3A_16 = arith.constant 0 : index
    %get3A_17 = vector.load %arg3[%get3A_15, %get3A_16] : memref<1000x128xf32, #tpu.memory_space<vmem>>, vector<1000x128xf32>
    %get3A_18 = arith.constant 0 : index
    %get3A_19 = arith.constant 0 : index
    %get3A_20 = vector.load %arg4[%get3A_18, %get3A_19] : memref<128x128xf32, #tpu.memory_space<vmem>>, vector<128x128xf32>
    %dot_general3A = arith.constant dense<0.000000e+00> : vector<1000x128xf32>
    %dot_general3A_21 = tpu.matmul %get3A_17, %get3A_20, %dot_general3A {dimension_numbers = #tpu.dot_dimension_numbers<[1], [0], [0], [1], [0, 0, 1, 1], [], []>, transpose_lhs_hint = false} : vector<1000x128xf32>, vector<128x128xf32>, vector<1000x128xf32> -> vector<1000x128xf32>
    %add3A_22 = arith.addf %mul3A_14, %dot_general3A_21 : vector<1000x128xf32>
    %get3A_23 = arith.constant 0 : index
    %get3A_24 = arith.constant 0 : index
    %get3A_25 = vector.load %arg5[%get3A_23, %get3A_24] : memref<1x128xf32, #tpu.memory_space<vmem>>, vector<1x128xf32>
    %add3A_26 = vector.broadcast %get3A_25 : vector<1x128xf32> to vector<1000x128xf32>
    %add3A_27 = arith.addf %add3A_22, %add3A_26 : vector<1000x128xf32>
    %get3A_28 = arith.constant 0 : index
    %get3A_29 = arith.constant 0 : index
    %get3A_30 = vector.load %arg6[%get3A_28, %get3A_29] : memref<1x128xf32, #tpu.memory_space<vmem>>, vector<1x128xf32>
    %mul3A_31 = vector.broadcast %get3A_30 : vector<1x128xf32> to vector<1000x128xf32>
    %mul3A_32 = arith.mulf %add3A_27, %mul3A_31 : vector<1000x128xf32>
    %get3A_33 = arith.constant 0 : index
    %get3A_34 = arith.constant 0 : index
    %get3A_35 = vector.load %arg7[%get3A_33, %get3A_34] : memref<1x128xf32, #tpu.memory_space<vmem>>, vector<1x128xf32>
    %add3A_36 = vector.broadcast %get3A_35 : vector<1x128xf32> to vector<1000x128xf32>
    %add3A_37 = arith.addf %mul3A_32, %add3A_36 : vector<1000x128xf32>
    %max3A = arith.constant 0.000000e+00 : f32
    %max3A_38 = vector.broadcast %max3A : f32 to vector<1000x128xf32>
    %max3A_39 = arith.maximumf %add3A_37, %max3A_38 : vector<1000x128xf32>
    %swap3A = arith.constant 0 : index
    %swap3A_40 = arith.constant 0 : index
    %swap3A_41 = vector.load %arg9[%swap3A, %swap3A_40] : memref<1000x128xf32, #tpu.memory_space<vmem>>, vector<1000x128xf32>
    tpu.vector_store %arg9[%swap3A, %swap3A_40], %max3A_39 {strides = array<i32>} : memref<1000x128xf32, #tpu.memory_space<vmem>>, vector<1000x128xf32>,
    %get3A_42 = arith.constant 0 : index
    %get3A_43 = arith.constant 0 : index
    %get3A_44 = vector.load %arg8[%get3A_42, %get3A_43] : memref<128x16xf32, #tpu.memory_space<vmem>>, vector<128x16xf32>
    %dot_general3A_45 = arith.constant dense<0.000000e+00> : vector<1000x16xf32>
    %dot_general3A_46 = tpu.matmul %max3A_39, %get3A_44, %dot_general3A_45 {dimension_numbers = #tpu.dot_dimension_numbers<[1], [0], [0], [1], [0, 0, 1, 1], [], []>, transpose_lhs_hint = false} : vector<1000x128xf32>, vector<128x16xf32>, vector<1000x16xf32> -> vector<1000x16xf32>
    %swap3A_47 = arith.constant 0 : index
    %swap3A_48 = arith.constant 0 : index
    %swap3A_49 = vector.load %arg10[%swap3A_47, %swap3A_48] : memref<1000x16xf32, #tpu.memory_space<vmem>>, vector<1000x16xf32>
    tpu.vector_store %arg10[%swap3A_47, %swap3A_48], %dot_general3A_46 {strides = array<i32>} : memref<1000x16xf32, #tpu.memory_space<vmem>>, vector<1000x16xf32>,
    return
  }
  func.func @transform_0(%arg0: i32) -> (i32, i32, i32) {
    %c0_i32 = arith.constant 0 : i32
    %c0_i32_0 = arith.constant 0 : i32
    %c0_i32_1 = arith.constant 0 : i32
    return %c0_i32, %arg0, %c0_i32_0 : i32, i32, i32
  }
  func.func @transform_1(%arg0: i32) -> (i32, i32, i32) {
    %c0_i32 = arith.constant 0 : i32
    %c0_i32_0 = arith.constant 0 : i32
    %c0_i32_1 = arith.constant 0 : i32
    return %arg0, %c0_i32, %c0_i32_0 : i32, i32, i32
  }
  func.func @transform_2(%arg0: i32) -> (i32, i32) {
    %c0_i32 = arith.constant 0 : i32
    %c0_i32_0 = arith.constant 0 : i32
    return %arg0, %c0_i32 : i32, i32
  }
  func.func @transform_3(%arg0: i32) -> (i32, i32) {
    %c0_i32 = arith.constant 0 : i32
    %c0_i32_0 = arith.constant 0 : i32
    %c0_i32_1 = arith.constant 0 : i32
    return %c0_i32, %c0_i32_0 : i32, i32
  }
  func.func @transform_4(%arg0: i32) -> (i32, i32) {
    %c0_i32 = arith.constant 0 : i32
    %c0_i32_0 = arith.constant 0 : i32
    %c0_i32_1 = arith.constant 0 : i32
    return %c0_i32, %c0_i32_0 : i32, i32
  }
  func.func @transform_5(%arg0: i32) -> (i32, i32) {
    %c0_i32 = arith.constant 0 : i32
    %c0_i32_0 = arith.constant 0 : i32
    %c0_i32_1 = arith.constant 0 : i32
    return %c0_i32, %c0_i32_0 : i32, i32
  }
  func.func @transform_6(%arg0: i32) -> (i32, i32) {
    %c0_i32 = arith.constant 0 : i32
    %c0_i32_0 = arith.constant 0 : i32
    %c0_i32_1 = arith.constant 0 : i32
    return %c0_i32, %c0_i32_0 : i32, i32
  }
  func.func @transform_7(%arg0: i32) -> (i32, i32) {
    %c0_i32 = arith.constant 0 : i32
    %c0_i32_0 = arith.constant 0 : i32
    %c0_i32_1 = arith.constant 0 : i32
    return %c0_i32, %c0_i32_0 : i32, i32
  }
  func.func @transform_8(%arg0: i32) -> (i32, i32) {
    %c0_i32 = arith.constant 0 : i32
    %c0_i32_0 = arith.constant 0 : i32
    return %arg0, %c0_i32 : i32, i32
  }
  func.func @transform_9(%arg0: i32) -> (i32, i32) {
    %c0_i32 = arith.constant 0 : i32
    %c0_i32_0 = arith.constant 0 : i32
    return %arg0, %c0_i32 : i32, i32
  }
}

module attributes {stable_mosaic.version = 14 : i64} {
  func.func @body(%arg0: i32, %arg1: memref<2x1000x128xf32, #tpu.memory_space<vmem>>, %arg2: memref<1x1000x1xf32, #tpu.memory_space<vmem>>, %arg3: memref<1000x128xf32, #tpu.memory_space<vmem>>, %arg4: memref<128x16xf32, #tpu.memory_space<vmem>>, %arg5: memref<128x16xf32, #tpu.memory_space<vmem>>, %arg6: memref<1x16xf32, #tpu.memory_space<vmem>>, %arg7: memref<1000x16xf32, #tpu.memory_space<vmem>>) attributes {dimension_semantics = [#tpu.dimension_semantics<arbitrary>], iteration_bounds = array<i64: 10>, scalar_prefetch = 0 : i64, scratch_operands = 0 : i64, tpu.core_type = #tpu.core_type<tc>, window_params = [{transform_indices = @transform_0, window_bounds = array<i64: 2, 1000, 128>}, {transform_indices = @transform_1, window_bounds = array<i64: 1, 1000, 1>}, {transform_indices = @transform_2, window_bounds = array<i64: 1000, 128>}, {pipeline_mode = #tpu.pipeline_mode<synchronous>, transform_indices = @transform_3, window_bounds = array<i64: 128, 16>}, {pipeline_mode = #tpu.pipeline_mode<synchronous>, transform_indices = @transform_4, window_bounds = array<i64: 128, 16>}, {pipeline_mode = #tpu.pipeline_mode<synchronous>, transform_indices = @transform_5, window_bounds = array<i64: 1, 16>}, {transform_indices = @transform_6, window_bounds = array<i64: 1000, 16>}]} {
    %get3A = arith.constant 0 : index
    %get3A_0 = arith.constant 0 : index
    %get3A_1 = arith.constant 0 : index
    %get3A_2 = vector.load %arg1[%get3A, %get3A_0, %get3A_1] : memref<2x1000x128xf32, #tpu.memory_space<vmem>>, vector<1x1000x128xf32>
    %get3A_3 = vector.shape_cast %get3A_2 : vector<1x1000x128xf32> to vector<1000x128xf32>
    %get3A_4 = arith.constant 1 : index
    %get3A_5 = arith.constant 0 : index
    %get3A_6 = arith.constant 0 : index
    %get3A_7 = vector.load %arg1[%get3A_4, %get3A_5, %get3A_6] : memref<2x1000x128xf32, #tpu.memory_space<vmem>>, vector<1x1000x128xf32>
    %get3A_8 = vector.shape_cast %get3A_7 : vector<1x1000x128xf32> to vector<1000x128xf32>
    %add3A = arith.addf %get3A_3, %get3A_8 : vector<1000x128xf32>
    %get3A_9 = arith.constant 0 : index
    %get3A_10 = arith.constant 0 : index
    %get3A_11 = arith.constant 0 : index
    %get3A_12 = vector.load %arg2[%get3A_9, %get3A_10, %get3A_11] : memref<1x1000x1xf32, #tpu.memory_space<vmem>>, vector<1x1000x1xf32>
    %get3A_13 = vector.shape_cast %get3A_12 : vector<1x1000x1xf32> to vector<1000x1xf32>
    %mul3A = vector.broadcast %get3A_13 : vector<1000x1xf32> to vector<1000x128xf32>
    %mul3A_14 = arith.mulf %add3A, %mul3A : vector<1000x128xf32>
    %get3A_15 = arith.constant 0 : index
    %get3A_16 = arith.constant 0 : index
    %get3A_17 = vector.load %arg4[%get3A_15, %get3A_16] : memref<128x16xf32, #tpu.memory_space<vmem>>, vector<128x16xf32>
    %dot_general3A = arith.constant dense<0.000000e+00> : vector<1000x16xf32>
    %dot_general3A_18 = tpu.matmul %mul3A_14, %get3A_17, %dot_general3A {dimension_numbers = #tpu.dot_dimension_numbers<[1], [0], [0], [1], [0, 0, 1, 1], [], []>, transpose_lhs_hint = false} : vector<1000x128xf32>, vector<128x16xf32>, vector<1000x16xf32> -> vector<1000x16xf32>
    %get3A_19 = arith.constant 0 : index
    %get3A_20 = arith.constant 0 : index
    %get3A_21 = vector.load %arg3[%get3A_19, %get3A_20] : memref<1000x128xf32, #tpu.memory_space<vmem>>, vector<1000x128xf32>
    %get3A_22 = arith.constant 0 : index
    %get3A_23 = arith.constant 0 : index
    %get3A_24 = vector.load %arg5[%get3A_22, %get3A_23] : memref<128x16xf32, #tpu.memory_space<vmem>>, vector<128x16xf32>
    %dot_general3A_25 = arith.constant dense<0.000000e+00> : vector<1000x16xf32>
    %dot_general3A_26 = tpu.matmul %get3A_21, %get3A_24, %dot_general3A_25 {dimension_numbers = #tpu.dot_dimension_numbers<[1], [0], [0], [1], [0, 0, 1, 1], [], []>, transpose_lhs_hint = false} : vector<1000x128xf32>, vector<128x16xf32>, vector<1000x16xf32> -> vector<1000x16xf32>
    %add3A_27 = arith.addf %dot_general3A_18, %dot_general3A_26 : vector<1000x16xf32>
    %get3A_28 = arith.constant 0 : index
    %get3A_29 = arith.constant 0 : index
    %get3A_30 = vector.load %arg6[%get3A_28, %get3A_29] : memref<1x16xf32, #tpu.memory_space<vmem>>, vector<1x16xf32>
    %add3A_31 = vector.broadcast %get3A_30 : vector<1x16xf32> to vector<1000x16xf32>
    %add3A_32 = arith.addf %add3A_27, %add3A_31 : vector<1000x16xf32>
    %swap3A = arith.constant 0 : index
    %swap3A_33 = arith.constant 0 : index
    %swap3A_34 = vector.load %arg7[%swap3A, %swap3A_33] : memref<1000x16xf32, #tpu.memory_space<vmem>>, vector<1000x16xf32>
    tpu.vector_store %arg7[%swap3A, %swap3A_33], %add3A_32 {strides = array<i32>} : memref<1000x16xf32, #tpu.memory_space<vmem>>, vector<1000x16xf32>,
    return
  }
  func.func @transform_0(%arg0: i32) -> (i32, i32, i32) {
    %c0_i32 = arith.constant 0 : i32
    %c0_i32_0 = arith.constant 0 : i32
    %c0_i32_1 = arith.constant 0 : i32
    return %c0_i32, %arg0, %c0_i32_0 : i32, i32, i32
  }
  func.func @transform_1(%arg0: i32) -> (i32, i32, i32) {
    %c0_i32 = arith.constant 0 : i32
    %c0_i32_0 = arith.constant 0 : i32
    %c0_i32_1 = arith.constant 0 : i32
    return %arg0, %c0_i32, %c0_i32_0 : i32, i32, i32
  }
  func.func @transform_2(%arg0: i32) -> (i32, i32) {
    %c0_i32 = arith.constant 0 : i32
    %c0_i32_0 = arith.constant 0 : i32
    return %arg0, %c0_i32 : i32, i32
  }
  func.func @transform_3(%arg0: i32) -> (i32, i32) {
    %c0_i32 = arith.constant 0 : i32
    %c0_i32_0 = arith.constant 0 : i32
    %c0_i32_1 = arith.constant 0 : i32
    return %c0_i32, %c0_i32_0 : i32, i32
  }
  func.func @transform_4(%arg0: i32) -> (i32, i32) {
    %c0_i32 = arith.constant 0 : i32
    %c0_i32_0 = arith.constant 0 : i32
    %c0_i32_1 = arith.constant 0 : i32
    return %c0_i32, %c0_i32_0 : i32, i32
  }
  func.func @transform_5(%arg0: i32) -> (i32, i32) {
    %c0_i32 = arith.constant 0 : i32
    %c0_i32_0 = arith.constant 0 : i32
    %c0_i32_1 = arith.constant 0 : i32
    return %c0_i32, %c0_i32_0 : i32, i32
  }
  func.func @transform_6(%arg0: i32) -> (i32, i32) {
    %c0_i32 = arith.constant 0 : i32
    %c0_i32_0 = arith.constant 0 : i32
    return %arg0, %c0_i32 : i32, i32
  }
}

</mosaic_0001>

<sc_bundles>
// kernel: kernel.12.cloned.1.call-start
scs
__scs_entry_jumppad:
0x0: {  	(pc) =	sbr.rel $0x88, $3  }
0x1: {  	(tag) =	ssettag $0x0;
	lr =	simm.s32 $0x1  }
0x2: {  	[smem:$0x3F92] =	sst lr;
	_ =	strace $0xD0000000  }
0x3: {  	_ = 	snop  }
0x4: {  	_ = 	snop  }
0x5: {  	_ = 	snop  }
0x6: {  	_ = 	snop  }
0x7: {  	_ = 	snop  }
__scs_overlays_trampoline_lowered:
0x8: {  	[smem:$0x3FA1] =	sst s0  }
0x9: {  	[smem:$0x3FA2] =	sst s1  }
0xa: {  	[smem:$0x3FA3] =	sst s2  }
0xb: {  	[smem:$0x3FA4] =	sst s3  }
0xc: {  	[smem:$0x3FA5] =	sst s4  }
0xd: {  	[smem:$0x3FA6] =	sst s5  }
0xe: {  	[smem:$0x3FA7] =	sst s6  }
0xf: {  	[smem:$0x3FA8] =	sst s7  }
0x10: {  	[smem:$0x3FA9] =	sst s8  }
0x11: {  	[smem:$0x3FAA] =	sst s9;
	s0 =	simm.s32 @!p0 $0x0  }
0x12: {  	s1 =	sld [smem:$0x3F90];
	s0 =	simm.s32 @p0 $0x1  }
0x13: {  	[smem:$0x3FAB] =	sst s0;
	s0 =	simm.s32 @!p1 $0x0  }
0x14: {  	s2 =	sld [smem:$0x3F8F];
	s0 =	simm.s32 @p1 $0x1  }
0x15: {  	[smem:$0x3FAC] =	sst s0;
	s0 =	simm.s32 @!p2 $0x0  }
0x16: {  	s3 =	sld [smem:$0x3FDB];
	s0 =	simm.s32 @p2 $0x1  }
0x17: {  	s4 =	simm.s32 $0x1BF5;
	[smem:$0x3FAE] =	sst s0  }
0x18: {  	s0 =	sld [smem:$0x3F91];
	_ =	swait.ge [sflag:s4], $0x0  }
0x19: {  	s7 =	sld [smem:$0x3F92]  }
0x1a: {  	s8 =	sadd.s32 $0xFFFFE003, lr  }
0x1b: {  	s9 =	sadd.s32 $0xFFFFFEF7, lr;
	s5 =	simm.s32 $0xFFFFFFFF;
	p2 =	slt.u32 s8, $0xFFFFF086  }
0x1c: {  	p1 =	slt.u32 s9, $0xF7A;
	s5 =	simm.s32 @!p2 $0x0  }
0x1d: {  	s5 =	simm.s32 @p1 $0x1;
	p0 =	seq.s32 s7, s2  }
0x1e: {  	s7 =	smul.u32 @!p0 $0xF7A, s2;
	p2 =	seq.s32 @!p0 s5, $0x0  }
0x1f: {  	s9 =	smul.u32 $0xF7A, s1;
	s8 =	simm.s32 @!p0 $0x1BF5;
	p2 =	por !p2, p0  }
0x20: {  	[sflag:s8] =	ssyncset.s32 @!p0 $0xFFFFF086;
	s6 =	sadd.s32 @!p0 s3, s7;
	s7 =	simm.s32 @!p0 $0x108  }
0x21: {  	s3 =	sadd.s32 s3, s9;
	s6 =	sadd.s32 @!p0 $0x88, s6;
	s7 =	simm.s32 @p2 $0x1082  }
0x22: {  	[simem:s7], [sflag:s8] =	dma.local @!p0 [hbm:s6], $0xF7A  }
0x23: {  	s9 =	sor.u32 $0xD0000000, s2;
	s6 =	simm.s32 $0x108;
	_ =	swait.ge @!p0 [sflag:s8], $0x0  }
0x24: {  	s3 =	sadd.s32 $0x88, s3;
	s6 =	simm.s32 @!p1 $0x1082;
	[sflag:s4] =	ssyncset.s32 $0xFFFFF086  }
0x25: {  	[simem:s6], [sflag:s4] =	dma.local [hbm:s3], $0xF7A  }
0x26: {  	[smem:$0x3F92] =	sst s1;
	(tag) =	ssettag s2;
	_ =	strace s9  }
0x27: {  	s1 =	sld [smem:$0x3FA2]  }
0x28: {  	s2 =	sld [smem:$0x3FA3]  }
0x29: {  	s4 =	sld [smem:$0x3FA5]  }
0x2a: {  	p0 =	seq.s32 s5, $0x0;
	s5 =	sld [smem:$0x3FA6]  }
0x2b: {  	s6 =	sld [smem:$0x3FA7]  }
0x2c: {  	s7 =	sld [smem:$0x3FA8]  }
0x2d: {  	s3 =	simm.s32 $0x108;
	s8 =	sld [smem:$0x3FA9]  }
0x2e: {  	s3 =	simm.s32 @!p0 $0x1082;
	s9 =	sld [smem:$0x3FAA]  }
0x2f: {  	lr =	sadd.s32 s0, s3;
	s0 =	sld [smem:$0x3FA1]  }
0x30: {  	s3 =	sld [smem:$0x3FA4]  }
0x31: {  	[smem:$0x3FAD] =	sst s10  }
0x32: {  	s10 =	sld [smem:$0x3FAB];
	_ =	sdelay $0x3  }
0x33: {  	p0 =	seq.s32 s10, $0x1;
	s10 =	sld [smem:$0x3FAD];
	_ =	sdelay $0x3  }
0x34: {  	[smem:$0x3FAD] =	sst s10  }
0x35: {  	s10 =	sld [smem:$0x3FAC];
	_ =	sdelay $0x3  }
0x36: {  	p1 =	seq.s32 s10, $0x1;
	s10 =	sld [smem:$0x3FAD];
	_ =	sdelay $0x3  }
0x37: {  	[smem:$0x3FAD] =	sst s10  }
0x38: {  	s10 =	sld [smem:$0x3FAE]  }
0x39: {  	_ = 	snop;
	(pc) =	sbr.ind lr, $3  }
0x3a: {  	_ = 	snop  }
0x3b: {  	_ = 	snop  }
0x3c: {  	p2 =	seq.s32 s10, $0x1;
	s10 =	sld [smem:$0x3FAD]  }
0x3d: {  	_ =	shalt  }
0x3e: {  	_ =	shalt  }
0x3f: {  	_ =	shalt  }
0x40: {  	_ =	shalt  }
0x41: {  	_ =	shalt  }
0x42: {  	_ =	shalt  }
0x43: {  	_ =	shalt  }
0x44: {  	_ =	shalt  }
0x45: {  	_ =	shalt  }
0x46: {  	_ =	shalt  }
0x47: {  	_ =	shalt  }
0x48: {  	_ =	shalt  }
0x49: {  	_ =	shalt  }
0x4a: {  	_ =	shalt  }
0x4b: {  	_ =	shalt  }
0x4c: {  	_ =	shalt  }
0x4d: {  	_ =	shalt  }
0x4e: {  	_ =	shalt  }
0x4f: {  	_ =	shalt  }
0x50: {  	_ =	shalt  }
0x51: {  	_ =	shalt  }
0x52: {  	_ =	shalt  }
0x53: {  	_ =	shalt  }
0x54: {  	_ =	shalt  }
0x55: {  	_ =	shalt  }
0x56: {  	_ =	shalt  }
0x57: {  	_ =	shalt  }
0x58: {  	_ =	shalt  }
0x59: {  	_ =	shalt  }
0x5a: {  	_ =	shalt  }
0x5b: {  	_ =	shalt  }
0x5c: {  	_ =	shalt  }
0x5d: {  	_ =	shalt  }
0x5e: {  	_ =	shalt  }
0x5f: {  	_ =	shalt  }
0x60: {  	_ =	shalt  }
0x61: {  	_ =	shalt  }
0x62: {  	_ =	shalt  }
0x63: {  	_ =	shalt  }
0x64: {  	_ =	shalt  }
0x65: {  	_ =	shalt  }
0x66: {  	_ =	shalt  }
0x67: {  	_ =	shalt  }
0x68: {  	_ =	shalt  }
0x69: {  	_ =	shalt  }
0x6a: {  	_ =	shalt  }
0x6b: {  	_ =	shalt  }
0x6c: {  	_ =	shalt  }
0x6d: {  	_ =	shalt  }
0x6e: {  	_ =	shalt  }
0x6f: {  	_ =	shalt  }
0x70: {  	_ =	shalt  }
0x71: {  	_ =	shalt  }
0x72: {  	_ =	shalt  }
0x73: {  	_ =	shalt  }
0x74: {  	_ =	shalt  }
0x75: {  	_ =	shalt  }
0x76: {  	_ =	shalt  }
0x77: {  	_ =	shalt  }
0x78: {  	_ =	shalt  }
0x79: {  	_ =	shalt  }
0x7a: {  	_ =	shalt  }
0x7b: {  	_ =	shalt  }
0x7c: {  	_ =	shalt  }
0x7d: {  	_ =	shalt  }
0x7e: {  	_ =	shalt  }
0x7f: {  	_ =	shalt  }
0x80: {  	_ =	shalt  }
0x81: {  	_ =	shalt  }
0x82: {  	_ =	shalt  }
0x83: {  	_ =	shalt  }
0x84: {  	_ =	shalt  }
0x85: {  	_ =	shalt  }
0x86: {  	_ =	shalt  }
0x87: {  	_ =	shalt  }
.Lfunc_end0:
.L_simem_size_0:
called_computation.1_lowered:
.L_overlay_start_0:
0x88: {  	s2 =	sld [smem:$0x3FD9]  }
0x89: {  	s3 =	sld [smem:$0x3FFE];
	_ =	sdelay $0x1  }
0x8a: {  	s1 =	srdreg.scid  }
0x8b: {  	s0 =	sand.u32 $0x1, s1  }
0x8c: {  	s17 =	sshll.u32 s0, $0xA;
	s2 =	sadd.s32 s3, s2  }
0x8d: {  	s2 =	sadd.s32 s2, s17  }
0x8e: {  	[smem:$0x3FB9] =	sst s2  }
0x8f: {  	_ = 	snop  }
0x90: {  	s2 =	sld [smem:$0x3FD0];
	(tm) =	ssettm $0x1  }
0x91: {  	s18 =	sld [smem:$0x3FFB];
	_ =	sdelay $0x3  }
0x92: {  	_ =	strace s18  }
0x93: {  	s3 =	sld [smem:$0x3FFC];
	_ =	sdelay $0x3  }
0x94: {  	_ =	strace s3  }
0x95: {  	s3 =	sld [smem:$0x3FFD];
	_ =	sdelay $0x3  }
0x96: {  	_ =	strace s3  }
0x97: {  	_ =	strace $0x8FFFFFFF  }
0x98: {  	s19 =	sld [smem:$0x3FDB];
	_ =	sdelay $0x1  }
0x99: {  	s4 =	simm.s32 $_scs_section_size  }
0x9a: {  	s5 =	simm.s32 $_size__tile_overlayer_lowered;
	s6 =	simm.s32 $_tile_overlayer_lowered  }
0x9b: {  	s22 =	simm.s32 $0x1BFF;
	s21 =	sshll.u32 s6, $0x1;
	s3 =	sadd.s32 s4, s19  }
0x9c: {  	s7 =	simm.s32 $0x0;
	s20 =	sshll.u32 s5, $0x1;
	s5 =	sadd.s32 s21, s3  }
0x9d: {  	[timem:s7], [sflag:s22] =	dma.local [hbm:s5], s20  }
0x9e: {  	_ =	swait.ge [sflag:s22], s20  }
0x9f: {  	s4 =	ssub.s32 $0x0, s20;
	[sflag:s22] =	ssyncset.done $0x0  }
0xa0: {  	[sflag:s22] =	ssyncadd.s32 s4;
	_ =	sdelay $0x1  }
0xa1: {  	s23 =	simm.s32 $0x1B8B  }
0xa2: {  	_ =	swait.ge [sflag:s23], $0x1  }
0xa3: {  	[sflag:s23] =	ssyncset.done $0x0  }
0xa4: {  	s25 =	simm.s32 $0x1B8E;
	s24 =	sld [smem:$0x3FFE];
	[sflag:s23] =	ssyncadd.s32 $0xFFFFFFFF  }
0xa5: {  	s26 =	simm.s32 $execute0_lowered;
	[smem:$0x3FD2] =	sst s25  }
0xa6: {  	s5 =	sshll.u32 s26, $0x1;
	_ =	strace $0x80000049;
	[dreg:$0x1] =	wrdreg $0xFFFFFFFF  }
0xa7: {  	s28 =	simm.s32 $_size_execute0_lowered;
	s3 =	sadd.s32 s3, s5;
	[dreg:$0x0] =	wrdreg $0x0  }
0xa8: {  	s5 =	sshll.u32 s28, $0x1;
	[dreg:$0x2] =	wrdreg s3  }
0xa9: {  	[dreg:$0x3] =	wrdreg s5  }
0xaa: {  	[dreg:$0x4] =	wrdreg $0xC0  }
0xab: {  	_ =	task [dreg:s7], $0x5FFFF  }
0xac: {  	[dreg:$0x1] =	wrdreg $0xFFFFFFFF  }
0xad: {  	[dreg:$0x0] =	wrdreg $0x60  }
0xae: {  	[dreg:$0x2] =	wrdreg s24  }
0xaf: {  	[dreg:$0x3] =	wrdreg s2  }
0xb0: {  	[dreg:$0x4] =	wrdreg $0x0  }
0xb1: {  	[dreg:$0x5] =	wrdreg $0x9  }
0xb2: {  	_ =	task.clear_ibuf [dreg:s7], $0x6FFFF;
	_ =	strace $0x90000049  }
0xb3: {  	s29 =	simm.s32 $0x9;
	_ =	strace $0x8000004B  }
0xb4: {  	_ =	swait.ge [sflag:s29], $0x1  }
0xb5: {  	[sflag:s29] =	ssyncadd.s32 $0xFFFFFFFF  }
0xb6: {  	_ =	strace $0x9000004B  }
0xb7: {  	_ =	sfence  }
0xb8: {  	s30 =	sld [smem:$0x0];
	_ =	sdelay $0x2  }
0xb9: {  	s31 =	sshll.u32 s1, $0xD;
	s1 =	sshrl.u32 s1, $0x2  }
0xba: {  	s3 =	sand.u32 $0x4000, s31;
	s1 =	sadd.s32 s1, s30  }
0xbb: {  	s0 =	sor.u32 s3, s0;
	s1 =	sshll.u32 s1, $0x11  }
0xbc: {  	s0 =	sor.u32 s1, s0  }
0xbd: {  	s0 =	sadd.s32 $0x8F2B, s0  }
0xbe: {  	[sflag:s0] =	ssyncadd.remote.s32 $0x1  }
0xbf: {  	_ =	sfence.sel $0xFFFF  }
0xc0: {  	[dreg:$0x0] =	wrdreg $0xFFFFFFFF;
	(pc) =	sbr.abs _section_cstart, $3  }
0xc1: {  	[dreg:$0x1] =	wrdreg $0xFFFFFFFF  }
0xc2: {  	_ =	task.clear_ibuf [dreg:s7], $0x2FFFF;
	_ =	strace $0x9FFFFFFF  }
0xc3: {  	(tm) =	ssettm $0x7FFFFFFF  }
tec
execute0_lowered:
.L_overlay_start_1:
0x0: {  	(tag) =	ssettag $0x1  }
0x1: {  	s6 =	rddreg [dreg:$0x0]  }
0x2: {  	s2 =	rddreg [dreg:$0x1]  }
0x3: {  	s1 =	srdreg.scid;
	s0 =	stileid.u32  }
0x4: {  	s3 =	rddreg [dreg:$0x2];
	s4 =	simm.s32 $0x0;
	s13 =	simm.s32 $0x50  }
0x5: {  	s14 =	simm.s32 $0x1A780;
	s15 =	simm.s32 $0x1;
	s7 =	sand.u32 $0x1, s1  }
0x6: {  	s5 =	sshll.u32 s0, $0x1;
	s1 =	rddreg [dreg:$0x3];
	s11 =	smul.u32 $0x50000, s0  }
0x7: {  	[smem:$0x7FF] =	sst s4;
	s31 =	sshll.u32 s0, $0x6;
	s17 =	smul.u32 $0x2800, s0  }
0x8: {  	s8 =	sor.u32 s7, s5;
	_ =	strace $0x8000004A;
	s10 =	smul.u32 $0x28000, s7  }
0x9: {  	s5 =	sadd.s32 $0x1C800, s6;
	s7 =	ssub.s32 $0x2, s7;
	s9 =	smul.u32 $0x4E2, s8  }
0xa: {  	s8 =	sshll.u32 s8, $0xB;
	s29 =	sshrl.u32 s7, $0x1;
	s30 =	sshrl.u32 s11, $0x2  }
0xb: {  	s8 =	sadd.s32 s8, s6;
	s10 =	sadd.s32 s10, s6;
	s12 =	ssub.s32 s7, s29  }
0xc: {  	s11 =	sadd.s32 s30, s3;
	s9 =	sadd.s32 s9, s6;
	s6 =	sor.u32 $0x1C02, s31  }
0xd: {  	s8 =	sadd.s32 $0xC800, s8;
	s16 =	sadd.s32 $0x43A00, s10;
	s10 =	sshrl.u32 s11, $0x3  }
0xe: {  	s11 =	simm.s32 $0x2;
	s7 =	sadd.s32 $0x2A00, s9;
	s9 =	smax.u32 s12, $0x1  }
0xf: {  	s12 =	simm.s32 $0x14000;
	s16 =	sadd.s32 s17, s16;
	s17 =	simm.s32 $0x0  }
.LBB2_1:
0x10: {  	[spmem:s10], [sflag:s6] =	dma.local [hbm:s2], $0x2800  }
0x11: {  	_ =	swait.ge [sflag:s11], $0x2800  }
0x12: {  	[sflag:s11] =	ssyncset.done $0x0  }
0x13: {  	[sflag:s11] =	ssyncadd.s32 $0xFFFFD800  }
0x14: {  	[tilespmem:s12], [sflag:$0x2] =	stream.linear.gather [hbm4b:s7+s4], $0x2710, $0x38;
	[tilespmem:$0x1CF80] =	vst v63  }
0x15: {  	_ =	swait.ge [sflag:s11], $0x2710  }
0x16: {  	[sflag:s11] =	ssyncset.done $0x0  }
0x17: {  	s18 =	simm.s32 $0x16780;
	[sflag:s11] =	ssyncadd.s32 $0xFFFFD8F0  }
0x18: {  	[tilespmem:s18], [sflag:$0x2] =	stream.linear.gather [hbm4b:s8+s4], $0x3E80, $0x38;
	[tilespmem:$0x1CF80] =	vst v63  }
0x19: {  	_ =	swait.ge [sflag:s11], $0x3E80  }
0x1a: {  	[sflag:s11] =	ssyncset.done $0x0  }
0x1b: {  	[sflag:s11] =	ssyncadd.s32 $0xFFFFC180  }
0x1c: {  	s19 =	simm.s32 $0x14000;
	[bflag:$0x0] =	sbarrier.arrive $0xFFFF  }
0x1d: {  	[tilespmem:s14], [sflag:$0x1] =	stream.indirect.gather [hbm4b:s5+s13], $0x80, s19, s13, $0xb8;
	[tilespmem:$0x1CF80] =	vst v63  }
0x1e: {  	_ =	swait.ge [sflag:s15], $0x2800  }
0x1f: {  	[sflag:s15] =	ssyncset.done $0x0  }
0x20: {  	[sflag:s15] =	ssyncadd.s32 $0xFFFFD800  }
0x21: {  	[spmem:s3] =	stream.indirect.scatter.add.f32 [tilespmem:s14], [sflag:$0x2], $0x80, s18, s13, $0xb8;
	[tilespmem:$0x1CF80] =	vst v63  }
0x22: {  	s20 =	simm.s32 $0x50;
	_ =	swait.ge [sflag:s11], $0x2800  }
0x23: {  	s19 =	simm.s32 $0x280;
	s18 =	simm.s32 $0x16800;
	[sflag:s11] =	ssyncset.done $0x0  }
.LBB2_2:
0x24: {  	s20 =	sadd.s32 $0x14000, s20  }
0x25: {  	[sflag:s11] =	ssyncadd.s32 $0xFFFFD800;
	s21 =	smov.u32 s19;
	s22 =	sadd.s32 $0x140, s19  }
0x26: {  	[tilespmem:s14], [sflag:$0x1] =	stream.indirect.gather [hbm4b:s5+s13], $0x80, s20, s13, $0xb8;
	[tilespmem:$0x1CF80] =	vst v63  }
0x27: {  	p0 =	sne.s32 s19, $0x9B00;
	_ =	swait.ge [sflag:s15], $0x2800  }
.Ltmp0:
0x28: {  	[sflag:s15] =	ssyncset.done $0x0;
	(pc) =	sbr.rel @p0 .LBB2_2-.Ltmp0, $4  }
0x29: {  	[sflag:s15] =	ssyncadd.s32 $0xFFFFD800  }
0x2a: {  	[spmem:s3] =	stream.indirect.scatter.add.f32 [tilespmem:s14], [sflag:$0x2], $0x80, s18, s13, $0xb8;
	[tilespmem:$0x1CF80] =	vst v63  }
0x2b: {  	s20 =	sshra.s32 s21, $0x2;
	_ =	swait.ge [sflag:s11], $0x2800  }
0x2c: {  	s19 =	smov.u32 s22;
	s18 =	sadd.s32 $0x80, s18;
	[sflag:s11] =	ssyncset.done $0x0  }
0x2d: {  	s19 =	sadd.s32 $0x14000, s20;
	[sflag:s11] =	ssyncadd.s32 $0xFFFFD800  }
0x2e: {  	[tilespmem:s14], [sflag:$0x1] =	stream.indirect.gather [hbm4b:s5+s13], $0x80, s19, s13, $0xb8;
	[tilespmem:$0x1CF80] =	vst v63  }
0x2f: {  	_ =	swait.ge [sflag:s15], $0x2800  }
0x30: {  	[sflag:s15] =	ssyncset.done $0x0  }
0x31: {  	[sflag:s15] =	ssyncadd.s32 $0xFFFFD800  }
0x32: {  	[spmem:s3] =	stream.indirect.scatter.add.f32 [tilespmem:s14], [sflag:$0x2], $0x80, s18, s13, $0xb8;
	[tilespmem:$0x1CF80] =	vst v63  }
0x33: {  	_ =	swait.ge [sflag:s11], $0x2800  }
0x34: {  	s17 =	sadd.s32 $0x1, s17;
	[sflag:s11] =	ssyncset.done $0x0  }
0x35: {  	p0 =	sne.s32 s17, s9;
	[sflag:s11] =	ssyncadd.s32 $0xFFFFD800  }
.Ltmp1:
0x36: {  	[bflag:$0x0] =	sbarrier.arrive $0xFFFF;
	(pc) =	sbr.rel @p0 .LBB2_1-.Ltmp1, $4  }
0x37: {  	[hbm:s16], [sflag:s6] =	dma.local [spmem:s10], $0x2800  }
0x38: {  	_ =	swait.ge [sflag:s11], $0x2800  }
0x39: {  	[sflag:s11] =	ssyncset.done $0x0  }
0x3a: {  	[sflag:s11] =	ssyncadd.s32 $0xFFFFD800  }
0x3b: {  	_ =	sfence.sel $0x180000  }
0x3c: {  	[bflag:$0x0] =	sbarrier.arrive $0xFFFF  }
0x3d: {  	p0 =	sne.s32 s0, $0x0;
	_ =	strace $0x9000004A  }
0x3e: {  	s0 =	sadd.s32 @!p0 $0x100000, s1;
	[bflag:$0x2] =	sbarrier.arrive $0xFFFF  }
0x3f: {  	[sflag:s0] =	ssyncadd.tile.s32 @!p0 $0x1;
	_ =	shalt  }
.Lfunc_end2:
_tile_overlayer_lowered:
.L_overlay_start_2:
0x40: {  	(tag) =	ssettag $0x2  }
0x41: {  	s0 =	rddreg [dreg:$0x0];
	s2 =	stileid.u32  }
0x42: {  	s1 =	rddreg [dreg:$0x1];
	p0 =	sne.s32 s2, $0x0  }
0x43: {  	s3 =	rddreg [dreg:$0x2];
	[bflag:$0x3] =	sbarrier.arrive $0xFFFF;
	s2 =	simm.s32 @!p0 $0x1C02  }
0x44: {  	[timem:s3], [sflag:s2] =	dma.local @!p0 [hbm:s0], s1  }
0x45: {  	s0 =	simm.s32 @!p0 $0x2  }
0x46: {  	_ =	swait.ge @!p0 [sflag:s0], s1  }
0x47: {  	s1 =	ssub.s32 @!p0 $0x0, s1;
	[sflag:s0] =	ssyncset.done @!p0 $0x0  }
0x48: {  	[sflag:s0] =	ssyncadd.s32 @!p0 s1  }
0x49: {  	[bflag:$0x3] =	sbarrier.arrive $0xFFFF  }
0x4a: {  	_ =	shalt  }

// kernel: kernel.15.cloned.1.call-start
scs
__scs_entry_jumppad:
0x0: {  	(pc) =	sbr.rel $0x88, $3  }
0x1: {  	(tag) =	ssettag $0x0;
	lr =	simm.s32 $0x1  }
0x2: {  	[smem:$0x3F92] =	sst lr;
	_ =	strace $0xD0000000  }
0x3: {  	_ = 	snop  }
0x4: {  	_ = 	snop  }
0x5: {  	_ = 	snop  }
0x6: {  	_ = 	snop  }
0x7: {  	_ = 	snop  }
__scs_overlays_trampoline_lowered:
0x8: {  	[smem:$0x3FA1] =	sst s0  }
0x9: {  	[smem:$0x3FA2] =	sst s1  }
0xa: {  	[smem:$0x3FA3] =	sst s2  }
0xb: {  	[smem:$0x3FA4] =	sst s3  }
0xc: {  	[smem:$0x3FA5] =	sst s4  }
0xd: {  	[smem:$0x3FA6] =	sst s5  }
0xe: {  	[smem:$0x3FA7] =	sst s6  }
0xf: {  	[smem:$0x3FA8] =	sst s7  }
0x10: {  	[smem:$0x3FA9] =	sst s8  }
0x11: {  	[smem:$0x3FAA] =	sst s9;
	s0 =	simm.s32 @!p0 $0x0  }
0x12: {  	s1 =	sld [smem:$0x3F90];
	s0 =	simm.s32 @p0 $0x1  }
0x13: {  	[smem:$0x3FAB] =	sst s0;
	s0 =	simm.s32 @!p1 $0x0  }
0x14: {  	s2 =	sld [smem:$0x3F8F];
	s0 =	simm.s32 @p1 $0x1  }
0x15: {  	[smem:$0x3FAC] =	sst s0;
	s0 =	simm.s32 @!p2 $0x0  }
0x16: {  	s3 =	sld [smem:$0x3FDB];
	s0 =	simm.s32 @p2 $0x1  }
0x17: {  	s4 =	simm.s32 $0x1BF5;
	[smem:$0x3FAE] =	sst s0  }
0x18: {  	s0 =	sld [smem:$0x3F91];
	_ =	swait.ge [sflag:s4], $0x0  }
0x19: {  	s7 =	sld [smem:$0x3F92]  }
0x1a: {  	s8 =	sadd.s32 $0xFFFFE003, lr  }
0x1b: {  	s9 =	sadd.s32 $0xFFFFFEF7, lr;
	s5 =	simm.s32 $0xFFFFFFFF;
	p2 =	slt.u32 s8, $0xFFFFF086  }
0x1c: {  	p1 =	slt.u32 s9, $0xF7A;
	s5 =	simm.s32 @!p2 $0x0  }
0x1d: {  	s5 =	simm.s32 @p1 $0x1;
	p0 =	seq.s32 s7, s2  }
0x1e: {  	s7 =	smul.u32 @!p0 $0xF7A, s2;
	p2 =	seq.s32 @!p0 s5, $0x0  }
0x1f: {  	s9 =	smul.u32 $0xF7A, s1;
	s8 =	simm.s32 @!p0 $0x1BF5;
	p2 =	por !p2, p0  }
0x20: {  	[sflag:s8] =	ssyncset.s32 @!p0 $0xFFFFF086;
	s6 =	sadd.s32 @!p0 s3, s7;
	s7 =	simm.s32 @!p0 $0x108  }
0x21: {  	s3 =	sadd.s32 s3, s9;
	s6 =	sadd.s32 @!p0 $0x88, s6;
	s7 =	simm.s32 @p2 $0x1082  }
0x22: {  	[simem:s7], [sflag:s8] =	dma.local @!p0 [hbm:s6], $0xF7A  }
0x23: {  	s9 =	sor.u32 $0xD0000000, s2;
	s6 =	simm.s32 $0x108;
	_ =	swait.ge @!p0 [sflag:s8], $0x0  }
0x24: {  	s3 =	sadd.s32 $0x88, s3;
	s6 =	simm.s32 @!p1 $0x1082;
	[sflag:s4] =	ssyncset.s32 $0xFFFFF086  }
0x25: {  	[simem:s6], [sflag:s4] =	dma.local [hbm:s3], $0xF7A  }
0x26: {  	[smem:$0x3F92] =	sst s1;
	(tag) =	ssettag s2;
	_ =	strace s9  }
0x27: {  	s1 =	sld [smem:$0x3FA2]  }
0x28: {  	s2 =	sld [smem:$0x3FA3]  }
0x29: {  	s4 =	sld [smem:$0x3FA5]  }
0x2a: {  	p0 =	seq.s32 s5, $0x0;
	s5 =	sld [smem:$0x3FA6]  }
0x2b: {  	s6 =	sld [smem:$0x3FA7]  }
0x2c: {  	s7 =	sld [smem:$0x3FA8]  }
0x2d: {  	s3 =	simm.s32 $0x108;
	s8 =	sld [smem:$0x3FA9]  }
0x2e: {  	s3 =	simm.s32 @!p0 $0x1082;
	s9 =	sld [smem:$0x3FAA]  }
0x2f: {  	lr =	sadd.s32 s0, s3;
	s0 =	sld [smem:$0x3FA1]  }
0x30: {  	s3 =	sld [smem:$0x3FA4]  }
0x31: {  	[smem:$0x3FAD] =	sst s10  }
0x32: {  	s10 =	sld [smem:$0x3FAB];
	_ =	sdelay $0x3  }
0x33: {  	p0 =	seq.s32 s10, $0x1;
	s10 =	sld [smem:$0x3FAD];
	_ =	sdelay $0x3  }
0x34: {  	[smem:$0x3FAD] =	sst s10  }
0x35: {  	s10 =	sld [smem:$0x3FAC];
	_ =	sdelay $0x3  }
0x36: {  	p1 =	seq.s32 s10, $0x1;
	s10 =	sld [smem:$0x3FAD];
	_ =	sdelay $0x3  }
0x37: {  	[smem:$0x3FAD] =	sst s10  }
0x38: {  	s10 =	sld [smem:$0x3FAE]  }
0x39: {  	_ = 	snop;
	(pc) =	sbr.ind lr, $3  }
0x3a: {  	_ = 	snop  }
0x3b: {  	_ = 	snop  }
0x3c: {  	p2 =	seq.s32 s10, $0x1;
	s10 =	sld [smem:$0x3FAD]  }
0x3d: {  	_ =	shalt  }
0x3e: {  	_ =	shalt  }
0x3f: {  	_ =	shalt  }
0x40: {  	_ =	shalt  }
0x41: {  	_ =	shalt  }
0x42: {  	_ =	shalt  }
0x43: {  	_ =	shalt  }
0x44: {  	_ =	shalt  }
0x45: {  	_ =	shalt  }
0x46: {  	_ =	shalt  }
0x47: {  	_ =	shalt  }
0x48: {  	_ =	shalt  }
0x49: {  	_ =	shalt  }
0x4a: {  	_ =	shalt  }
0x4b: {  	_ =	shalt  }
0x4c: {  	_ =	shalt  }
0x4d: {  	_ =	shalt  }
0x4e: {  	_ =	shalt  }
0x4f: {  	_ =	shalt  }
0x50: {  	_ =	shalt  }
0x51: {  	_ =	shalt  }
0x52: {  	_ =	shalt  }
0x53: {  	_ =	shalt  }
0x54: {  	_ =	shalt  }
0x55: {  	_ =	shalt  }
0x56: {  	_ =	shalt  }
0x57: {  	_ =	shalt  }
0x58: {  	_ =	shalt  }
0x59: {  	_ =	shalt  }
0x5a: {  	_ =	shalt  }
0x5b: {  	_ =	shalt  }
0x5c: {  	_ =	shalt  }
0x5d: {  	_ =	shalt  }
0x5e: {  	_ =	shalt  }
0x5f: {  	_ =	shalt  }
0x60: {  	_ =	shalt  }
0x61: {  	_ =	shalt  }
0x62: {  	_ =	shalt  }
0x63: {  	_ =	shalt  }
0x64: {  	_ =	shalt  }
0x65: {  	_ =	shalt  }
0x66: {  	_ =	shalt  }
0x67: {  	_ =	shalt  }
0x68: {  	_ =	shalt  }
0x69: {  	_ =	shalt  }
0x6a: {  	_ =	shalt  }
0x6b: {  	_ =	shalt  }
0x6c: {  	_ =	shalt  }
0x6d: {  	_ =	shalt  }
0x6e: {  	_ =	shalt  }
0x6f: {  	_ =	shalt  }
0x70: {  	_ =	shalt  }
0x71: {  	_ =	shalt  }
0x72: {  	_ =	shalt  }
0x73: {  	_ =	shalt  }
0x74: {  	_ =	shalt  }
0x75: {  	_ =	shalt  }
0x76: {  	_ =	shalt  }
0x77: {  	_ =	shalt  }
0x78: {  	_ =	shalt  }
0x79: {  	_ =	shalt  }
0x7a: {  	_ =	shalt  }
0x7b: {  	_ =	shalt  }
0x7c: {  	_ =	shalt  }
0x7d: {  	_ =	shalt  }
0x7e: {  	_ =	shalt  }
0x7f: {  	_ =	shalt  }
0x80: {  	_ =	shalt  }
0x81: {  	_ =	shalt  }
0x82: {  	_ =	shalt  }
0x83: {  	_ =	shalt  }
0x84: {  	_ =	shalt  }
0x85: {  	_ =	shalt  }
0x86: {  	_ =	shalt  }
0x87: {  	_ =	shalt  }
.Lfunc_end0:
.L_simem_size_0:
called_computation.2_lowered:
.L_overlay_start_0:
0x88: {  	s2 =	sld [smem:$0x3FD9]  }
0x89: {  	s3 =	sld [smem:$0x3FFE];
	_ =	sdelay $0x1  }
0x8a: {  	s1 =	srdreg.scid  }
0x8b: {  	s0 =	sand.u32 $0x1, s1  }
0x8c: {  	s17 =	sshll.u32 s0, $0xA;
	s2 =	sadd.s32 s3, s2  }
0x8d: {  	s2 =	sadd.s32 s2, s17  }
0x8e: {  	[smem:$0x3FB9] =	sst s2  }
0x8f: {  	_ = 	snop  }
0x90: {  	s2 =	sld [smem:$0x3FD0];
	(tm) =	ssettm $0x1  }
0x91: {  	s18 =	sld [smem:$0x3FFB];
	_ =	sdelay $0x3  }
0x92: {  	_ =	strace s18  }
0x93: {  	s3 =	sld [smem:$0x3FFC];
	_ =	sdelay $0x3  }
0x94: {  	_ =	strace s3  }
0x95: {  	s3 =	sld [smem:$0x3FFD];
	_ =	sdelay $0x3  }
0x96: {  	_ =	strace s3  }
0x97: {  	_ =	strace $0x8FFFFFFF  }
0x98: {  	s19 =	sld [smem:$0x3FDB];
	_ =	sdelay $0x1  }
0x99: {  	s4 =	simm.s32 $_scs_section_size  }
0x9a: {  	s5 =	simm.s32 $_size__tile_overlayer_lowered;
	s6 =	simm.s32 $_tile_overlayer_lowered  }
0x9b: {  	s22 =	simm.s32 $0x1BFF;
	s21 =	sshll.u32 s6, $0x1;
	s3 =	sadd.s32 s4, s19  }
0x9c: {  	s7 =	simm.s32 $0x0;
	s20 =	sshll.u32 s5, $0x1;
	s5 =	sadd.s32 s21, s3  }
0x9d: {  	[timem:s7], [sflag:s22] =	dma.local [hbm:s5], s20  }
0x9e: {  	_ =	swait.ge [sflag:s22], s20  }
0x9f: {  	s4 =	ssub.s32 $0x0, s20;
	[sflag:s22] =	ssyncset.done $0x0  }
0xa0: {  	[sflag:s22] =	ssyncadd.s32 s4;
	_ =	sdelay $0x1  }
0xa1: {  	s23 =	simm.s32 $0x1B8B  }
0xa2: {  	_ =	swait.ge [sflag:s23], $0x1  }
0xa3: {  	[sflag:s23] =	ssyncset.done $0x0  }
0xa4: {  	s25 =	simm.s32 $0x1B8E;
	s24 =	sld [smem:$0x3FFE];
	[sflag:s23] =	ssyncadd.s32 $0xFFFFFFFF  }
0xa5: {  	s26 =	simm.s32 $execute0_lowered;
	[smem:$0x3FD2] =	sst s25  }
0xa6: {  	s5 =	sshll.u32 s26, $0x1;
	_ =	strace $0x8000004C;
	[dreg:$0x1] =	wrdreg $0xFFFFFFFF  }
0xa7: {  	s28 =	simm.s32 $_size_execute0_lowered;
	s3 =	sadd.s32 s3, s5;
	[dreg:$0x0] =	wrdreg $0x0  }
0xa8: {  	s5 =	sshll.u32 s28, $0x1;
	[dreg:$0x2] =	wrdreg s3  }
0xa9: {  	[dreg:$0x3] =	wrdreg s5  }
0xaa: {  	[dreg:$0x4] =	wrdreg $0xC0  }
0xab: {  	_ =	task [dreg:s7], $0x5FFFF  }
0xac: {  	[dreg:$0x1] =	wrdreg $0xFFFFFFFF  }
0xad: {  	[dreg:$0x0] =	wrdreg $0x60  }
0xae: {  	[dreg:$0x2] =	wrdreg s24  }
0xaf: {  	[dreg:$0x3] =	wrdreg s2  }
0xb0: {  	[dreg:$0x4] =	wrdreg $0x0  }
0xb1: {  	[dreg:$0x5] =	wrdreg $0x9  }
0xb2: {  	_ =	task.clear_ibuf [dreg:s7], $0x6FFFF;
	_ =	strace $0x9000004C  }
0xb3: {  	s29 =	simm.s32 $0x9;
	_ =	strace $0x8000004E  }
0xb4: {  	_ =	swait.ge [sflag:s29], $0x1  }
0xb5: {  	[sflag:s29] =	ssyncadd.s32 $0xFFFFFFFF  }
0xb6: {  	_ =	strace $0x9000004E  }
0xb7: {  	_ =	sfence  }
0xb8: {  	s30 =	sld [smem:$0x0];
	_ =	sdelay $0x2  }
0xb9: {  	s31 =	sshll.u32 s1, $0xD;
	s1 =	sshrl.u32 s1, $0x2  }
0xba: {  	s3 =	sand.u32 $0x4000, s31;
	s1 =	sadd.s32 s1, s30  }
0xbb: {  	s0 =	sor.u32 s3, s0;
	s1 =	sshll.u32 s1, $0x11  }
0xbc: {  	s0 =	sor.u32 s1, s0  }
0xbd: {  	s0 =	sadd.s32 $0x8F2B, s0  }
0xbe: {  	[sflag:s0] =	ssyncadd.remote.s32 $0x1  }
0xbf: {  	_ =	sfence.sel $0xFFFF  }
0xc0: {  	[dreg:$0x0] =	wrdreg $0xFFFFFFFF;
	(pc) =	sbr.abs _section_cstart, $3  }
0xc1: {  	[dreg:$0x1] =	wrdreg $0xFFFFFFFF  }
0xc2: {  	_ =	task.clear_ibuf [dreg:s7], $0x2FFFF;
	_ =	strace $0x9FFFFFFF  }
0xc3: {  	(tm) =	ssettm $0x7FFFFFFF  }
tec
execute0_lowered:
.L_overlay_start_1:
0x0: {  	(tag) =	ssettag $0x1  }
0x1: {  	s6 =	rddreg [dreg:$0x0]  }
0x2: {  	s2 =	rddreg [dreg:$0x1]  }
0x3: {  	s1 =	srdreg.scid;
	s0 =	stileid.u32  }
0x4: {  	s3 =	rddreg [dreg:$0x2];
	s4 =	simm.s32 $0x0;
	s13 =	simm.s32 $0x50  }
0x5: {  	s14 =	simm.s32 $0x1A780;
	s15 =	simm.s32 $0x1;
	s7 =	sand.u32 $0x1, s1  }
0x6: {  	s5 =	sshll.u32 s0, $0x1;
	s1 =	rddreg [dreg:$0x3];
	s11 =	smul.u32 $0x50000, s0  }
0x7: {  	[smem:$0x7FF] =	sst s4;
	s31 =	sshll.u32 s0, $0x6;
	s17 =	smul.u32 $0x2800, s0  }
0x8: {  	s8 =	sor.u32 s7, s5;
	_ =	strace $0x8000004D;
	s10 =	smul.u32 $0x28000, s7  }
0x9: {  	s5 =	sadd.s32 $0x1C800, s6;
	s7 =	ssub.s32 $0x2, s7;
	s9 =	smul.u32 $0x4E2, s8  }
0xa: {  	s8 =	sshll.u32 s8, $0xB;
	s29 =	sshrl.u32 s7, $0x1;
	s30 =	sshrl.u32 s11, $0x2  }
0xb: {  	s8 =	sadd.s32 s8, s6;
	s10 =	sadd.s32 s10, s6;
	s12 =	ssub.s32 s7, s29  }
0xc: {  	s11 =	sadd.s32 s30, s3;
	s9 =	sadd.s32 s9, s6;
	s6 =	sor.u32 $0x1C02, s31  }
0xd: {  	s8 =	sadd.s32 $0xC800, s8;
	s16 =	sadd.s32 $0x43A00, s10;
	s10 =	sshrl.u32 s11, $0x3  }
0xe: {  	s11 =	simm.s32 $0x2;
	s7 =	sadd.s32 $0x2A00, s9;
	s9 =	smax.u32 s12, $0x1  }
0xf: {  	s12 =	simm.s32 $0x14000;
	s16 =	sadd.s32 s17, s16;
	s17 =	simm.s32 $0x0  }
.LBB2_1:
0x10: {  	[spmem:s10], [sflag:s6] =	dma.local [hbm:s2], $0x2800  }
0x11: {  	_ =	swait.ge [sflag:s11], $0x2800  }
0x12: {  	[sflag:s11] =	ssyncset.done $0x0  }
0x13: {  	[sflag:s11] =	ssyncadd.s32 $0xFFFFD800  }
0x14: {  	[tilespmem:s12], [sflag:$0x2] =	stream.linear.gather [hbm4b:s7+s4], $0x2710, $0x38;
	[tilespmem:$0x1CF80] =	vst v63  }
0x15: {  	_ =	swait.ge [sflag:s11], $0x2710  }
0x16: {  	[sflag:s11] =	ssyncset.done $0x0  }
0x17: {  	s18 =	simm.s32 $0x16780;
	[sflag:s11] =	ssyncadd.s32 $0xFFFFD8F0  }
0x18: {  	[tilespmem:s18], [sflag:$0x2] =	stream.linear.gather [hbm4b:s8+s4], $0x3E80, $0x38;
	[tilespmem:$0x1CF80] =	vst v63  }
0x19: {  	_ =	swait.ge [sflag:s11], $0x3E80  }
0x1a: {  	[sflag:s11] =	ssyncset.done $0x0  }
0x1b: {  	[sflag:s11] =	ssyncadd.s32 $0xFFFFC180  }
0x1c: {  	s19 =	simm.s32 $0x14000;
	[bflag:$0x0] =	sbarrier.arrive $0xFFFF  }
0x1d: {  	[tilespmem:s14], [sflag:$0x1] =	stream.indirect.gather [hbm4b:s5+s13], $0x80, s19, s13, $0xb8;
	[tilespmem:$0x1CF80] =	vst v63  }
0x1e: {  	_ =	swait.ge [sflag:s15], $0x2800  }
0x1f: {  	[sflag:s15] =	ssyncset.done $0x0  }
0x20: {  	[sflag:s15] =	ssyncadd.s32 $0xFFFFD800  }
0x21: {  	[spmem:s3] =	stream.indirect.scatter.add.f32 [tilespmem:s14], [sflag:$0x2], $0x80, s18, s13, $0xb8;
	[tilespmem:$0x1CF80] =	vst v63  }
0x22: {  	s20 =	simm.s32 $0x50;
	_ =	swait.ge [sflag:s11], $0x2800  }
0x23: {  	s19 =	simm.s32 $0x280;
	s18 =	simm.s32 $0x16800;
	[sflag:s11] =	ssyncset.done $0x0  }
.LBB2_2:
0x24: {  	s20 =	sadd.s32 $0x14000, s20  }
0x25: {  	[sflag:s11] =	ssyncadd.s32 $0xFFFFD800;
	s21 =	smov.u32 s19;
	s22 =	sadd.s32 $0x140, s19  }
0x26: {  	[tilespmem:s14], [sflag:$0x1] =	stream.indirect.gather [hbm4b:s5+s13], $0x80, s20, s13, $0xb8;
	[tilespmem:$0x1CF80] =	vst v63  }
0x27: {  	p0 =	sne.s32 s19, $0x9B00;
	_ =	swait.ge [sflag:s15], $0x2800  }
.Ltmp0:
0x28: {  	[sflag:s15] =	ssyncset.done $0x0;
	(pc) =	sbr.rel @p0 .LBB2_2-.Ltmp0, $4  }
0x29: {  	[sflag:s15] =	ssyncadd.s32 $0xFFFFD800  }
0x2a: {  	[spmem:s3] =	stream.indirect.scatter.add.f32 [tilespmem:s14], [sflag:$0x2], $0x80, s18, s13, $0xb8;
	[tilespmem:$0x1CF80] =	vst v63  }
0x2b: {  	s20 =	sshra.s32 s21, $0x2;
	_ =	swait.ge [sflag:s11], $0x2800  }
0x2c: {  	s19 =	smov.u32 s22;
	s18 =	sadd.s32 $0x80, s18;
	[sflag:s11] =	ssyncset.done $0x0  }
0x2d: {  	s19 =	sadd.s32 $0x14000, s20;
	[sflag:s11] =	ssyncadd.s32 $0xFFFFD800  }
0x2e: {  	[tilespmem:s14], [sflag:$0x1] =	stream.indirect.gather [hbm4b:s5+s13], $0x80, s19, s13, $0xb8;
	[tilespmem:$0x1CF80] =	vst v63  }
0x2f: {  	_ =	swait.ge [sflag:s15], $0x2800  }
0x30: {  	[sflag:s15] =	ssyncset.done $0x0  }
0x31: {  	[sflag:s15] =	ssyncadd.s32 $0xFFFFD800  }
0x32: {  	[spmem:s3] =	stream.indirect.scatter.add.f32 [tilespmem:s14], [sflag:$0x2], $0x80, s18, s13, $0xb8;
	[tilespmem:$0x1CF80] =	vst v63  }
0x33: {  	_ =	swait.ge [sflag:s11], $0x2800  }
0x34: {  	s17 =	sadd.s32 $0x1, s17;
	[sflag:s11] =	ssyncset.done $0x0  }
0x35: {  	p0 =	sne.s32 s17, s9;
	[sflag:s11] =	ssyncadd.s32 $0xFFFFD800  }
.Ltmp1:
0x36: {  	[bflag:$0x0] =	sbarrier.arrive $0xFFFF;
	(pc) =	sbr.rel @p0 .LBB2_1-.Ltmp1, $4  }
0x37: {  	[hbm:s16], [sflag:s6] =	dma.local [spmem:s10], $0x2800  }
0x38: {  	_ =	swait.ge [sflag:s11], $0x2800  }
0x39: {  	[sflag:s11] =	ssyncset.done $0x0  }
0x3a: {  	[sflag:s11] =	ssyncadd.s32 $0xFFFFD800  }
0x3b: {  	_ =	sfence.sel $0x180000  }
0x3c: {  	[bflag:$0x0] =	sbarrier.arrive $0xFFFF  }
0x3d: {  	p0 =	sne.s32 s0, $0x0;
	_ =	strace $0x9000004D  }
0x3e: {  	s0 =	sadd.s32 @!p0 $0x100000, s1;
	[bflag:$0x2] =	sbarrier.arrive $0xFFFF  }
0x3f: {  	[sflag:s0] =	ssyncadd.tile.s32 @!p0 $0x1;
	_ =	shalt  }
.Lfunc_end2:
_tile_overlayer_lowered:
.L_overlay_start_2:
0x40: {  	(tag) =	ssettag $0x2  }
0x41: {  	s0 =	rddreg [dreg:$0x0];
	s2 =	stileid.u32  }
0x42: {  	s1 =	rddreg [dreg:$0x1];
	p0 =	sne.s32 s2, $0x0  }
0x43: {  	s3 =	rddreg [dreg:$0x2];
	[bflag:$0x3] =	sbarrier.arrive $0xFFFF;
	s2 =	simm.s32 @!p0 $0x1C02  }
0x44: {  	[timem:s3], [sflag:s2] =	dma.local @!p0 [hbm:s0], s1  }
0x45: {  	s0 =	simm.s32 @!p0 $0x2  }
0x46: {  	_ =	swait.ge @!p0 [sflag:s0], s1  }
0x47: {  	s1 =	ssub.s32 @!p0 $0x0, s1;
	[sflag:s0] =	ssyncset.done @!p0 $0x0  }
0x48: {  	[sflag:s0] =	ssyncadd.s32 @!p0 s1  }
0x49: {  	[bflag:$0x3] =	sbarrier.arrive $0xFFFF  }
0x4a: {  	_ =	shalt  }

// kernel: kernel.9.cloned.1.call-start
scs
__scs_entry_jumppad:
0x0: {  	(pc) =	sbr.rel $0x88, $3  }
0x1: {  	(tag) =	ssettag $0x0;
	lr =	simm.s32 $0x1  }
0x2: {  	[smem:$0x3F92] =	sst lr;
	_ =	strace $0xD0000000  }
0x3: {  	_ = 	snop  }
0x4: {  	_ = 	snop  }
0x5: {  	_ = 	snop  }
0x6: {  	_ = 	snop  }
0x7: {  	_ = 	snop  }
__scs_overlays_trampoline_lowered:
0x8: {  	[smem:$0x3FA1] =	sst s0  }
0x9: {  	[smem:$0x3FA2] =	sst s1  }
0xa: {  	[smem:$0x3FA3] =	sst s2  }
0xb: {  	[smem:$0x3FA4] =	sst s3  }
0xc: {  	[smem:$0x3FA5] =	sst s4  }
0xd: {  	[smem:$0x3FA6] =	sst s5  }
0xe: {  	[smem:$0x3FA7] =	sst s6  }
0xf: {  	[smem:$0x3FA8] =	sst s7  }
0x10: {  	[smem:$0x3FA9] =	sst s8  }
0x11: {  	[smem:$0x3FAA] =	sst s9;
	s0 =	simm.s32 @!p0 $0x0  }
0x12: {  	s1 =	sld [smem:$0x3F90];
	s0 =	simm.s32 @p0 $0x1  }
0x13: {  	[smem:$0x3FAB] =	sst s0;
	s0 =	simm.s32 @!p1 $0x0  }
0x14: {  	s2 =	sld [smem:$0x3F8F];
	s0 =	simm.s32 @p1 $0x1  }
0x15: {  	[smem:$0x3FAC] =	sst s0;
	s0 =	simm.s32 @!p2 $0x0  }
0x16: {  	s3 =	sld [smem:$0x3FDB];
	s0 =	simm.s32 @p2 $0x1  }
0x17: {  	s4 =	simm.s32 $0x1BF5;
	[smem:$0x3FAE] =	sst s0  }
0x18: {  	s0 =	sld [smem:$0x3F91];
	_ =	swait.ge [sflag:s4], $0x0  }
0x19: {  	s7 =	sld [smem:$0x3F92]  }
0x1a: {  	s8 =	sadd.s32 $0xFFFFE003, lr  }
0x1b: {  	s9 =	sadd.s32 $0xFFFFFEF7, lr;
	s5 =	simm.s32 $0xFFFFFFFF;
	p2 =	slt.u32 s8, $0xFFFFF086  }
0x1c: {  	p1 =	slt.u32 s9, $0xF7A;
	s5 =	simm.s32 @!p2 $0x0  }
0x1d: {  	s5 =	simm.s32 @p1 $0x1;
	p0 =	seq.s32 s7, s2  }
0x1e: {  	s7 =	smul.u32 @!p0 $0xF7A, s2;
	p2 =	seq.s32 @!p0 s5, $0x0  }
0x1f: {  	s9 =	smul.u32 $0xF7A, s1;
	s8 =	simm.s32 @!p0 $0x1BF5;
	p2 =	por !p2, p0  }
0x20: {  	[sflag:s8] =	ssyncset.s32 @!p0 $0xFFFFF086;
	s6 =	sadd.s32 @!p0 s3, s7;
	s7 =	simm.s32 @!p0 $0x108  }
0x21: {  	s3 =	sadd.s32 s3, s9;
	s6 =	sadd.s32 @!p0 $0x88, s6;
	s7 =	simm.s32 @p2 $0x1082  }
0x22: {  	[simem:s7], [sflag:s8] =	dma.local @!p0 [hbm:s6], $0xF7A  }
0x23: {  	s9 =	sor.u32 $0xD0000000, s2;
	s6 =	simm.s32 $0x108;
	_ =	swait.ge @!p0 [sflag:s8], $0x0  }
0x24: {  	s3 =	sadd.s32 $0x88, s3;
	s6 =	simm.s32 @!p1 $0x1082;
	[sflag:s4] =	ssyncset.s32 $0xFFFFF086  }
0x25: {  	[simem:s6], [sflag:s4] =	dma.local [hbm:s3], $0xF7A  }
0x26: {  	[smem:$0x3F92] =	sst s1;
	(tag) =	ssettag s2;
	_ =	strace s9  }
0x27: {  	s1 =	sld [smem:$0x3FA2]  }
0x28: {  	s2 =	sld [smem:$0x3FA3]  }
0x29: {  	s4 =	sld [smem:$0x3FA5]  }
0x2a: {  	p0 =	seq.s32 s5, $0x0;
	s5 =	sld [smem:$0x3FA6]  }
0x2b: {  	s6 =	sld [smem:$0x3FA7]  }
0x2c: {  	s7 =	sld [smem:$0x3FA8]  }
0x2d: {  	s3 =	simm.s32 $0x108;
	s8 =	sld [smem:$0x3FA9]  }
0x2e: {  	s3 =	simm.s32 @!p0 $0x1082;
	s9 =	sld [smem:$0x3FAA]  }
0x2f: {  	lr =	sadd.s32 s0, s3;
	s0 =	sld [smem:$0x3FA1]  }
0x30: {  	s3 =	sld [smem:$0x3FA4]  }
0x31: {  	[smem:$0x3FAD] =	sst s10  }
0x32: {  	s10 =	sld [smem:$0x3FAB];
	_ =	sdelay $0x3  }
0x33: {  	p0 =	seq.s32 s10, $0x1;
	s10 =	sld [smem:$0x3FAD];
	_ =	sdelay $0x3  }
0x34: {  	[smem:$0x3FAD] =	sst s10  }
0x35: {  	s10 =	sld [smem:$0x3FAC];
	_ =	sdelay $0x3  }
0x36: {  	p1 =	seq.s32 s10, $0x1;
	s10 =	sld [smem:$0x3FAD];
	_ =	sdelay $0x3  }
0x37: {  	[smem:$0x3FAD] =	sst s10  }
0x38: {  	s10 =	sld [smem:$0x3FAE]  }
0x39: {  	_ = 	snop;
	(pc) =	sbr.ind lr, $3  }
0x3a: {  	_ = 	snop  }
0x3b: {  	_ = 	snop  }
0x3c: {  	p2 =	seq.s32 s10, $0x1;
	s10 =	sld [smem:$0x3FAD]  }
0x3d: {  	_ =	shalt  }
0x3e: {  	_ =	shalt  }
0x3f: {  	_ =	shalt  }
0x40: {  	_ =	shalt  }
0x41: {  	_ =	shalt  }
0x42: {  	_ =	shalt  }
0x43: {  	_ =	shalt  }
0x44: {  	_ =	shalt  }
0x45: {  	_ =	shalt  }
0x46: {  	_ =	shalt  }
0x47: {  	_ =	shalt  }
0x48: {  	_ =	shalt  }
0x49: {  	_ =	shalt  }
0x4a: {  	_ =	shalt  }
0x4b: {  	_ =	shalt  }
0x4c: {  	_ =	shalt  }
0x4d: {  	_ =	shalt  }
0x4e: {  	_ =	shalt  }
0x4f: {  	_ =	shalt  }
0x50: {  	_ =	shalt  }
0x51: {  	_ =	shalt  }
0x52: {  	_ =	shalt  }
0x53: {  	_ =	shalt  }
0x54: {  	_ =	shalt  }
0x55: {  	_ =	shalt  }
0x56: {  	_ =	shalt  }
0x57: {  	_ =	shalt  }
0x58: {  	_ =	shalt  }
0x59: {  	_ =	shalt  }
0x5a: {  	_ =	shalt  }
0x5b: {  	_ =	shalt  }
0x5c: {  	_ =	shalt  }
0x5d: {  	_ =	shalt  }
0x5e: {  	_ =	shalt  }
0x5f: {  	_ =	shalt  }
0x60: {  	_ =	shalt  }
0x61: {  	_ =	shalt  }
0x62: {  	_ =	shalt  }
0x63: {  	_ =	shalt  }
0x64: {  	_ =	shalt  }
0x65: {  	_ =	shalt  }
0x66: {  	_ =	shalt  }
0x67: {  	_ =	shalt  }
0x68: {  	_ =	shalt  }
0x69: {  	_ =	shalt  }
0x6a: {  	_ =	shalt  }
0x6b: {  	_ =	shalt  }
0x6c: {  	_ =	shalt  }
0x6d: {  	_ =	shalt  }
0x6e: {  	_ =	shalt  }
0x6f: {  	_ =	shalt  }
0x70: {  	_ =	shalt  }
0x71: {  	_ =	shalt  }
0x72: {  	_ =	shalt  }
0x73: {  	_ =	shalt  }
0x74: {  	_ =	shalt  }
0x75: {  	_ =	shalt  }
0x76: {  	_ =	shalt  }
0x77: {  	_ =	shalt  }
0x78: {  	_ =	shalt  }
0x79: {  	_ =	shalt  }
0x7a: {  	_ =	shalt  }
0x7b: {  	_ =	shalt  }
0x7c: {  	_ =	shalt  }
0x7d: {  	_ =	shalt  }
0x7e: {  	_ =	shalt  }
0x7f: {  	_ =	shalt  }
0x80: {  	_ =	shalt  }
0x81: {  	_ =	shalt  }
0x82: {  	_ =	shalt  }
0x83: {  	_ =	shalt  }
0x84: {  	_ =	shalt  }
0x85: {  	_ =	shalt  }
0x86: {  	_ =	shalt  }
0x87: {  	_ =	shalt  }
.Lfunc_end0:
.L_simem_size_0:
called_computation_lowered:
.L_overlay_start_0:
0x88: {  	s2 =	sld [smem:$0x3FD9]  }
0x89: {  	s3 =	sld [smem:$0x3FFE];
	_ =	sdelay $0x1  }
0x8a: {  	s1 =	srdreg.scid  }
0x8b: {  	s0 =	sand.u32 $0x1, s1  }
0x8c: {  	s17 =	sshll.u32 s0, $0xA;
	s2 =	sadd.s32 s3, s2  }
0x8d: {  	s2 =	sadd.s32 s2, s17  }
0x8e: {  	[smem:$0x3FB9] =	sst s2  }
0x8f: {  	_ = 	snop  }
0x90: {  	s2 =	sld [smem:$0x3FD0];
	(tm) =	ssettm $0x1  }
0x91: {  	s18 =	sld [smem:$0x3FFB];
	_ =	sdelay $0x3  }
0x92: {  	_ =	strace s18  }
0x93: {  	s3 =	sld [smem:$0x3FFC];
	_ =	sdelay $0x3  }
0x94: {  	_ =	strace s3  }
0x95: {  	s3 =	sld [smem:$0x3FFD];
	_ =	sdelay $0x3  }
0x96: {  	_ =	strace s3  }
0x97: {  	_ =	strace $0x8FFFFFFF  }
0x98: {  	s19 =	sld [smem:$0x3FDB];
	_ =	sdelay $0x1  }
0x99: {  	s4 =	simm.s32 $_scs_section_size  }
0x9a: {  	s5 =	simm.s32 $_size__tile_overlayer_lowered;
	s6 =	simm.s32 $_tile_overlayer_lowered  }
0x9b: {  	s22 =	simm.s32 $0x1BFF;
	s21 =	sshll.u32 s6, $0x1;
	s3 =	sadd.s32 s4, s19  }
0x9c: {  	s7 =	simm.s32 $0x0;
	s20 =	sshll.u32 s5, $0x1;
	s5 =	sadd.s32 s21, s3  }
0x9d: {  	[timem:s7], [sflag:s22] =	dma.local [hbm:s5], s20  }
0x9e: {  	_ =	swait.ge [sflag:s22], s20  }
0x9f: {  	s4 =	ssub.s32 $0x0, s20;
	[sflag:s22] =	ssyncset.done $0x0  }
0xa0: {  	[sflag:s22] =	ssyncadd.s32 s4;
	_ =	sdelay $0x1  }
0xa1: {  	s23 =	simm.s32 $0x1B8B  }
0xa2: {  	_ =	swait.ge [sflag:s23], $0x1  }
0xa3: {  	[sflag:s23] =	ssyncset.done $0x0  }
0xa4: {  	s25 =	simm.s32 $0x1B8E;
	s24 =	sld [smem:$0x3FFE];
	[sflag:s23] =	ssyncadd.s32 $0xFFFFFFFF  }
0xa5: {  	s26 =	simm.s32 $execute0_lowered;
	[smem:$0x3FD2] =	sst s25  }
0xa6: {  	s5 =	sshll.u32 s26, $0x1;
	_ =	strace $0x80000046;
	[dreg:$0x1] =	wrdreg $0xFFFFFFFF  }
0xa7: {  	s28 =	simm.s32 $_size_execute0_lowered;
	s3 =	sadd.s32 s3, s5;
	[dreg:$0x0] =	wrdreg $0x0  }
0xa8: {  	s5 =	sshll.u32 s28, $0x1;
	[dreg:$0x2] =	wrdreg s3  }
0xa9: {  	[dreg:$0x3] =	wrdreg s5  }
0xaa: {  	[dreg:$0x4] =	wrdreg $0xC0  }
0xab: {  	_ =	task [dreg:s7], $0x5FFFF  }
0xac: {  	[dreg:$0x1] =	wrdreg $0xFFFFFFFF  }
0xad: {  	[dreg:$0x0] =	wrdreg $0x60  }
0xae: {  	[dreg:$0x2] =	wrdreg s24  }
0xaf: {  	[dreg:$0x3] =	wrdreg s2  }
0xb0: {  	[dreg:$0x4] =	wrdreg $0x0  }
0xb1: {  	[dreg:$0x5] =	wrdreg $0x1CF800  }
0xb2: {  	[dreg:$0x6] =	wrdreg $0x9  }
0xb3: {  	_ =	task.clear_ibuf [dreg:s7], $0x7FFFF;
	_ =	strace $0x90000046  }
0xb4: {  	s29 =	simm.s32 $0x9;
	_ =	strace $0x80000048  }
0xb5: {  	_ =	swait.ge [sflag:s29], $0x1  }
0xb6: {  	[sflag:s29] =	ssyncadd.s32 $0xFFFFFFFF  }
0xb7: {  	_ =	strace $0x90000048  }
0xb8: {  	_ =	sfence  }
0xb9: {  	s30 =	sld [smem:$0x0];
	_ =	sdelay $0x2  }
0xba: {  	s31 =	sshll.u32 s1, $0xD;
	s1 =	sshrl.u32 s1, $0x2  }
0xbb: {  	s3 =	sand.u32 $0x4000, s31;
	s1 =	sadd.s32 s1, s30  }
0xbc: {  	s0 =	sor.u32 s3, s0;
	s1 =	sshll.u32 s1, $0x11  }
0xbd: {  	s0 =	sor.u32 s1, s0  }
0xbe: {  	s0 =	sadd.s32 $0x8F2B, s0  }
0xbf: {  	[sflag:s0] =	ssyncadd.remote.s32 $0x1  }
0xc0: {  	_ =	sfence.sel $0xFFFF  }
0xc1: {  	[dreg:$0x0] =	wrdreg $0xFFFFFFFF;
	(pc) =	sbr.abs _section_cstart, $3  }
0xc2: {  	[dreg:$0x1] =	wrdreg $0xFFFFFFFF  }
0xc3: {  	_ =	task.clear_ibuf [dreg:s7], $0x2FFFF;
	_ =	strace $0x9FFFFFFF  }
0xc4: {  	(tm) =	ssettm $0x7FFFFFFF  }
0xc5: {  	_ =	shalt  }
tec
execute0_lowered:
.L_overlay_start_1:
0x0: {  	(tag) =	ssettag $0x1  }
0x1: {  	s8 =	rddreg [dreg:$0x0]  }
0x2: {  	s1 =	rddreg [dreg:$0x1]  }
0x3: {  	s3 =	rddreg [dreg:$0x2];
	s2 =	srdreg.scid  }
0x4: {  	s0 =	stileid.u32;
	s4 =	rddreg [dreg:$0x3]  }
0x5: {  	s5 =	simm.s32 $0x0;
	s17 =	simm.s32 $0x1A780;
	s18 =	simm.s32 $0x1  }
0x6: {  	s19 =	simm.s32 $0x1D200;
	s24 =	simm.s32 $0x0;
	s14 =	smul.u32 $0x50000, s0  }
0x7: {  	s9 =	sand.u32 $0x1, s2;
	s2 =	rddreg [dreg:$0x4];
	s15 =	smul.u32 $0xA00, s0  }
0x8: {  	s6 =	sshll.u32 s0, $0x1;
	[smem:$0x7FF] =	sst s5;
	s21 =	smul.u32 $0x2800, s0  }
0x9: {  	s31 =	sshll.u32 s0, $0x6;
	s23 =	smul.u32 $0xA0, s0;
	s7 =	sor.u32 s9, s6  }
0xa: {  	_ =	strace $0x80000047;
	s11 =	smul.u32 $0x28000, s9;
	s6 =	sadd.s32 $0x1C800, s8  }
0xb: {  	s13 =	sshll.u32 s9, $0x4;
	s9 =	ssub.s32 $0x2, s9;
	s10 =	smul.u32 $0x4E2, s7  }
0xc: {  	s7 =	sshll.u32 s7, $0xB;
	s13 =	sadd.s32 s13, s8;
	s29 =	sshrl.u32 s9, $0x1  }
0xd: {  	s30 =	sshrl.u32 s14, $0x2;
	s15 =	sshrl.u32 s15, $0x2;
	s12 =	sadd.s32 s7, s8  }
0xe: {  	s7 =	sadd.s32 $0x43A00, s8;
	s11 =	sadd.s32 s11, s8;
	s16 =	ssub.s32 s9, s29  }
0xf: {  	s14 =	sadd.s32 s30, s3;
	s15 =	sadd.s32 s15, s4;
	s22 =	sadd.s32 $0x43C00, s13  }
0x10: {  	s13 =	simm.s32 $0x2;
	s10 =	sadd.s32 s10, s8;
	s8 =	sor.u32 $0x1C02, s31  }
0x11: {  	s20 =	sadd.s32 $0x44600, s11;
	s11 =	smax.u32 s16, $0x1;
	s15 =	sshrl.u32 s15, $0x3  }
0x12: {  	s16 =	simm.s32 $0x50;
	s9 =	sadd.s32 $0x2A00, s10;
	s10 =	sadd.s32 $0xC800, s12  }
0x13: {  	s12 =	sshrl.u32 s14, $0x3;
	s14 =	simm.s32 $0x14000;
	s20 =	sadd.s32 s21, s20  }
0x14: {  	v0 =	vimm.f32 $1.000000000e+00;
	s21 =	sadd.s32 s23, s22;
	s22 =	simm.s32 $0x20;
	s23 =	simm.s32 $0x10  }
.LBB2_1:
0x15: {  	[spmem:s12], [sflag:s8] =	dma.local [hbm:s1], $0x2800  }
0x16: {  	_ =	swait.ge [sflag:s13], $0x2800  }
0x17: {  	[sflag:s13] =	ssyncset.done $0x0  }
0x18: {  	[sflag:s13] =	ssyncadd.s32 $0xFFFFD800  }
0x19: {  	[tilespmem:s14], [sflag:$0x2] =	stream.linear.gather [hbm4b:s9+s5], $0x2710, $0x38;
	[tilespmem:$0x1D280] =	vst v63  }
0x1a: {  	_ =	swait.ge [sflag:s13], $0x2710  }
0x1b: {  	[sflag:s13] =	ssyncset.done $0x0  }
0x1c: {  	s25 =	simm.s32 $0x16780;
	[sflag:s13] =	ssyncadd.s32 $0xFFFFD8F0  }
0x1d: {  	[tilespmem:s25], [sflag:$0x2] =	stream.linear.gather [hbm4b:s10+s5], $0x3E80, $0x38;
	[tilespmem:$0x1D280] =	vst v63  }
0x1e: {  	_ =	swait.ge [sflag:s13], $0x3E80  }
0x1f: {  	[sflag:s13] =	ssyncset.done $0x0  }
0x20: {  	[sflag:s13] =	ssyncadd.s32 $0xFFFFC180  }
0x21: {  	[spmem:s15], [sflag:s8] =	dma.local [hbm:s7], $0x50  }
0x22: {  	_ =	swait.ge [sflag:s13], $0x50  }
0x23: {  	[sflag:s13] =	ssyncset.done $0x0  }
0x24: {  	[sflag:s13] =	ssyncadd.s32 $0xFFFFFFB0  }
0x25: {  	[tilespmem:$0x1D200] =	vst v0  }
0x26: {  	[tilespmem:$0x1D210] =	vst v0  }
0x27: {  	[tilespmem:$0x1D220] =	vst v0  }
0x28: {  	[tilespmem:$0x1D230] =	vst v0  }
0x29: {  	[tilespmem:$0x1D240] =	vst v0  }
0x2a: {  	s26 =	simm.s32 $0x14000;
	[bflag:$0x0] =	sbarrier.arrive $0xFFFF  }
0x2b: {  	[tilespmem:s17], [sflag:$0x1] =	stream.indirect.gather [hbm4b:s6+s16], $0x80, s26, s16, $0xb8;
	[tilespmem:$0x1D280] =	vst v63  }
0x2c: {  	_ =	swait.ge [sflag:s18], $0x2800  }
0x2d: {  	[sflag:s18] =	ssyncset.done $0x0  }
0x2e: {  	[sflag:s18] =	ssyncadd.s32 $0xFFFFD800  }
0x2f: {  	[spmem:s3] =	stream.indirect.scatter.add.f32 [tilespmem:s17], [sflag:$0x2], $0x80, s25, s16, $0xb8;
	[tilespmem:$0x1D280] =	vst v63  }
0x30: {  	_ =	swait.ge [sflag:s13], $0x2800  }
0x31: {  	[sflag:s13] =	ssyncset.done $0x0  }
0x32: {  	[sflag:s13] =	ssyncadd.s32 $0xFFFFD800  }
0x33: {  	[spmem:s4] =	stream.indirect.scatter.add.f32 [tilespmem:s19], [sflag:$0x2], $0x1, s25, s16, $0xb8;
	[tilespmem:$0x1D280] =	vst v63  }
0x34: {  	s28 =	simm.s32 $0x50;
	_ =	swait.ge [sflag:s13], $0x50  }
0x35: {  	s26 =	simm.s32 $0x280;
	s25 =	simm.s32 $0x16800;
	[sflag:s13] =	ssyncset.done $0x0  }
.LBB2_2:
0x36: {  	s28 =	sadd.s32 $0x14000, s28  }
0x37: {  	[sflag:s13] =	ssyncadd.s32 $0xFFFFFFB0;
	s29 =	smov.u32 s26;
	s30 =	sadd.s32 $0x140, s26  }
0x38: {  	[tilespmem:s17], [sflag:$0x1] =	stream.indirect.gather [hbm4b:s6+s16], $0x80, s28, s16, $0xb8;
	[tilespmem:$0x1D280] =	vst v63  }
0x39: {  	p0 =	sne.s32 s26, $0x9B00;
	_ =	swait.ge [sflag:s18], $0x2800  }
0x3a: {  	[sflag:s18] =	ssyncset.done $0x0  }
0x3b: {  	[sflag:s18] =	ssyncadd.s32 $0xFFFFD800  }
0x3c: {  	[spmem:s3] =	stream.indirect.scatter.add.f32 [tilespmem:s17], [sflag:$0x2], $0x80, s25, s16, $0xb8;
	[tilespmem:$0x1D280] =	vst v63  }
0x3d: {  	_ =	swait.ge [sflag:s13], $0x2800  }
.Ltmp0:
0x3e: {  	[sflag:s13] =	ssyncset.done $0x0;
	(pc) =	sbr.rel @p0 .LBB2_2-.Ltmp0, $4  }
0x3f: {  	[sflag:s13] =	ssyncadd.s32 $0xFFFFD800  }
0x40: {  	[spmem:s4] =	stream.indirect.scatter.add.f32 [tilespmem:s19], [sflag:$0x2], $0x1, s25, s16, $0xb8;
	[tilespmem:$0x1D280] =	vst v63  }
0x41: {  	s28 =	sshra.s32 s29, $0x2;
	_ =	swait.ge [sflag:s13], $0x50  }
0x42: {  	s26 =	smov.u32 s30;
	s25 =	sadd.s32 $0x80, s25;
	[sflag:s13] =	ssyncset.done $0x0  }
0x43: {  	s26 =	sadd.s32 $0x14000, s28;
	[sflag:s13] =	ssyncadd.s32 $0xFFFFFFB0  }
0x44: {  	[tilespmem:s17], [sflag:$0x1] =	stream.indirect.gather [hbm4b:s6+s16], $0x80, s26, s16, $0xb8;
	[tilespmem:$0x1D280] =	vst v63  }
0x45: {  	_ =	swait.ge [sflag:s18], $0x2800  }
0x46: {  	[sflag:s18] =	ssyncset.done $0x0  }
0x47: {  	[sflag:s18] =	ssyncadd.s32 $0xFFFFD800  }
0x48: {  	[spmem:s3] =	stream.indirect.scatter.add.f32 [tilespmem:s17], [sflag:$0x2], $0x80, s25, s16, $0xb8;
	[tilespmem:$0x1D280] =	vst v63  }
0x49: {  	_ =	swait.ge [sflag:s13], $0x2800  }
0x4a: {  	[sflag:s13] =	ssyncset.done $0x0  }
0x4b: {  	[sflag:s13] =	ssyncadd.s32 $0xFFFFD800  }
0x4c: {  	[spmem:s4] =	stream.indirect.scatter.add.f32 [tilespmem:s19], [sflag:$0x2], $0x1, s25, s16, $0xb8;
	[tilespmem:$0x1D280] =	vst v63  }
0x4d: {  	_ =	swait.ge [sflag:s13], $0x50  }
0x4e: {  	[sflag:s13] =	ssyncset.done $0x0  }
0x4f: {  	[sflag:s13] =	ssyncadd.s32 $0xFFFFFFB0  }
0x50: {  	[bflag:$0x0] =	sbarrier.arrive $0xFFFF  }
0x51: {  	[hbm:s20], [sflag:s8] =	dma.local [spmem:s12], $0x2800  }
0x52: {  	s24 =	sadd.s32 $0x1, s24;
	_ =	swait.ge [sflag:s13], $0x2800  }
0x53: {  	p0 =	sne.s32 s24, s11;
	[sflag:s13] =	ssyncset.done $0x0  }
.Ltmp1:
0x54: {  	[sflag:s13] =	ssyncadd.s32 $0xFFFFD800;
	(pc) =	sbr.rel @p0 .LBB2_1-.Ltmp1, $4  }
0x55: {  	[hbm:s21@s22], [sflag:s8] =	dma.strided [spmem:s15@s23], $0x50, s18, $0x10   }
0x56: {  	_ =	swait.ge [sflag:s13], $0x50  }
0x57: {  	[sflag:s13] =	ssyncset.done $0x0  }
0x58: {  	[sflag:s13] =	ssyncadd.s32 $0xFFFFFFB0  }
0x59: {  	_ =	sfence.sel $0x180000  }
0x5a: {  	[bflag:$0x0] =	sbarrier.arrive $0xFFFF  }
0x5b: {  	p0 =	sne.s32 s0, $0x0;
	_ =	strace $0x90000047  }
0x5c: {  	s0 =	sadd.s32 @!p0 $0x100000, s2;
	[bflag:$0x2] =	sbarrier.arrive $0xFFFF  }
0x5d: {  	[sflag:s0] =	ssyncadd.tile.s32 @!p0 $0x1;
	_ =	shalt  }
.Lfunc_end2:
_tile_overlayer_lowered:
.L_overlay_start_2:
0x5e: {  	(tag) =	ssettag $0x2  }
0x5f: {  	s0 =	rddreg [dreg:$0x0];
	s2 =	stileid.u32  }
0x60: {  	s1 =	rddreg [dreg:$0x1];
	p0 =	sne.s32 s2, $0x0  }
0x61: {  	s3 =	rddreg [dreg:$0x2];
	[bflag:$0x3] =	sbarrier.arrive $0xFFFF;
	s2 =	simm.s32 @!p0 $0x1C02  }
0x62: {  	[timem:s3], [sflag:s2] =	dma.local @!p0 [hbm:s0], s1  }
0x63: {  	s0 =	simm.s32 @!p0 $0x2  }
0x64: {  	_ =	swait.ge @!p0 [sflag:s0], s1  }
0x65: {  	s1 =	ssub.s32 @!p0 $0x0, s1;
	[sflag:s0] =	ssyncset.done @!p0 $0x0  }
0x66: {  	[sflag:s0] =	ssyncadd.s32 @!p0 s1  }
0x67: {  	[bflag:$0x3] =	sbarrier.arrive $0xFFFF  }
0x68: {  	_ =	shalt  }

</sc_bundles>
